<compile_context>
chip_gen: v7x
topology: tpu7x:2x2x1
jax: 0.10.2.dev20260603
libtpu: 0.0.44.dev20260713+nightly
codegen_flags: <defaults>
</compile_context>

<pallas_src>
import functools

import jax
import jax.numpy as jnp
from jax import lax
from jax.experimental import pallas as pl
from jax.experimental.pallas import tpu as pltpu
from jax.experimental.pallas import tpu_sc as plsc

_N = 5000
_L = 16
_NW = 32
_RPW = 160
_NPAD = _NW * _RPW
_CPW = _RPW // _L

_BIG = 1e30
_OB = 80
_OR = _RPW // _OB


def _nms_body(xl_h, yl_h, xh_h, yh_h, sc_h, lab_h, ord_h, ord3_h, lo_h, hi_h,
              out_h,
              xl, yl, xh, yh, sc, lab, ordv,
              xs, ys, xe, ye, ss, po, ar,
              lov, hiv, outv, myidx_a, myidx_b, sem):
    cid = lax.axis_index("c")
    sid = lax.axis_index("s")
    wid = sid * 2 + cid
    pltpu.sync_copy(xl_h, xl)
    pltpu.sync_copy(yl_h, yl)
    pltpu.sync_copy(xh_h, xh)
    pltpu.sync_copy(yh_h, yh)
    pltpu.sync_copy(sc_h, sc)
    pltpu.sync_copy(lab_h, lab)
    pltpu.sync_copy(ord_h, ordv)
    pltpu.sync_copy(lo_h, lov)
    pltpu.sync_copy(hi_h, hiv)

    lane = lax.iota(jnp.int32, _L)
    lane0 = lane == 0
    wsp = jnp.full((_L,), wid, dtype=jnp.int32)
    lo = jnp.max(plsc.load_gather(lov, [wsp]))
    hi = jnp.max(plsc.load_gather(hiv, [wsp]))
    clo = lo >> 4
    chi = (hi + (_L - 1)) >> 4
    base = wid * _RPW
    plo = jnp.minimum(clo, wid * _CPW)
    phi = jnp.maximum(chi, wid * _CPW + _CPW)

    def perm_body(c, carry):
        off = c * _L
        idxv = ordv[pl.ds(off, _L)]
        xsg = plsc.load_gather(xl, [idxv])
        ysg = plsc.load_gather(yl, [idxv])
        xeg = plsc.load_gather(xh, [idxv])
        yeg = plsc.load_gather(yh, [idxv])
        xs[pl.ds(off, _L)] = xsg
        ys[pl.ds(off, _L)] = ysg
        xe[pl.ds(off, _L)] = xeg
        ye[pl.ds(off, _L)] = yeg
        ss[pl.ds(off, _L)] = plsc.load_gather(sc, [idxv])
        labg = plsc.load_gather(lab, [idxv])
        po[pl.ds(off, _L)] = (idxv << 3) | (labg & 7)
        ar[pl.ds(off, _L)] = (xeg - xsg) * (yeg - ysg)
        return carry

    lax.fori_loop(plo, phi, perm_body, 0)

    def _row_bcast(i):
        isp = jnp.full((_L,), i, dtype=jnp.int32)
        return (plsc.load_gather(xs, [isp]), plsc.load_gather(ys, [isp]),
                plsc.load_gather(xe, [isp]), plsc.load_gather(ye, [isp]),
                plsc.load_gather(ss, [isp]), plsc.load_gather(po, [isp]),
                plsc.load_gather(ar, [isp]))

    def row_body(r2, carry_row):
        r0 = r2 * 2
        r1 = r0 + 1
        b0 = _row_bcast(base + r0)
        b1 = _row_bcast(base + r1)

        def chunk_body(cidx, accs):
            acc0, acc1 = accs
            off = cidx * _L
            xlj = xs[pl.ds(off, _L)]
            ylj = ys[pl.ds(off, _L)]
            xhj = xe[pl.ds(off, _L)]
            yhj = ye[pl.ds(off, _L)]
            scj = ss[pl.ds(off, _L)]
            poj = po[pl.ds(off, _L)]
            arj = ar[pl.ds(off, _L)]

            def one(b, acc):
                xli, yli, xhi, yhi, sci, poi, ari = b
                w = jnp.maximum(
                    jnp.minimum(xhi, xhj) - jnp.maximum(xli, xlj), 0.0)
                h = jnp.maximum(
                    jnp.minimum(yhi, yhj) - jnp.maximum(yli, ylj), 0.0)
                inter = w * h
                union = ari + arj - inter
                iou_hit = inter + inter > union
                same = ((poj ^ poi) & 7) == 0
                pri = (scj > sci) | ((scj == sci) & (poj > poi))
                return acc | (iou_hit & same & pri)

            return one(b0, acc0), one(b1, acc1)

        acc0 = jnp.zeros((_L,), dtype=jnp.bool_)
        acc0, acc1 = lax.fori_loop(clo, chi, chunk_body, (acc0, acc0))
        out0 = jnp.where(jnp.full((_L,), jnp.any(acc0)), 0.0, b0[4])
        out1 = jnp.where(jnp.full((_L,), jnp.any(acc1)), 0.0, b1[4])
        plsc.store_scatter(outv, [jnp.full((_L,), r0, dtype=jnp.int32)],
                           out0, mask=lane0)
        plsc.store_scatter(outv, [jnp.full((_L,), r1, dtype=jnp.int32)],
                           out1, mask=lane0)
        return carry_row

    lax.fori_loop(0, _RPW // 2, row_body, 0)
    pltpu.sync_copy(ord3_h.at[wid, 0], myidx_a)
    pltpu.sync_copy(ord3_h.at[wid, 1], myidx_b)
    pltpu.async_copy(outv.at[pl.ds(0, _OB)], out_h.at[myidx_a], sem).wait()
    pltpu.async_copy(outv.at[pl.ds(_OB, _OB)], out_h.at[myidx_b], sem).wait()


_nms = functools.partial(
    pl.kernel,
    out_type=jax.ShapeDtypeStruct((_NPAD,), jnp.float32),
    mesh=plsc.VectorSubcoreMesh(core_axis_name="c", subcore_axis_name="s"),
    compiler_params=pltpu.CompilerParams(needs_layout_passes=False),
    scratch_types=[
        pltpu.VMEM((_NPAD,), jnp.float32),
        pltpu.VMEM((_NPAD,), jnp.float32),
        pltpu.VMEM((_NPAD,), jnp.float32),
        pltpu.VMEM((_NPAD,), jnp.float32),
        pltpu.VMEM((_NPAD,), jnp.float32),
        pltpu.VMEM((_NPAD,), jnp.int32),
        pltpu.VMEM((_NPAD,), jnp.int32),
        pltpu.VMEM((_NPAD,), jnp.float32),
        pltpu.VMEM((_NPAD,), jnp.float32),
        pltpu.VMEM((_NPAD,), jnp.float32),
        pltpu.VMEM((_NPAD,), jnp.float32),
        pltpu.VMEM((_NPAD,), jnp.float32),
        pltpu.VMEM((_NPAD,), jnp.int32),
        pltpu.VMEM((_NPAD,), jnp.float32),
        pltpu.VMEM((_NW,), jnp.int32),
        pltpu.VMEM((_NW,), jnp.int32),
        pltpu.VMEM((_RPW,), jnp.float32),
        pltpu.VMEM((_OB,), jnp.int32),
        pltpu.VMEM((_OB,), jnp.int32),
        pltpu.SemaphoreType.DMA,
    ],
)(_nms_body)


def kernel(boxes, scores, pred_labels):
    xl = boxes[:, 0]
    yl = boxes[:, 1]
    xh = boxes[:, 2]
    yh = boxes[:, 3]
    wmax = jnp.max(xh - xl)

    iota = jnp.arange(_N, dtype=jnp.int32)
    xls, order = lax.sort((xl, iota), num_keys=1, is_stable=False)

    firsts = xls[0::_RPW]
    lasts = jnp.concatenate([xls[_RPW - 1::_RPW], xls[_N - 1:]])
    lo_arr = jnp.searchsorted(xls, firsts - wmax, side="left").astype(jnp.int32)
    hi_arr = jnp.searchsorted(xls, lasts + wmax, side="right").astype(jnp.int32)

    npadf = jnp.zeros((_NPAD - _N,), jnp.float32)
    xl_p = jnp.concatenate([xl, jnp.full((_NPAD - _N,), _BIG, jnp.float32)])
    yl_p = jnp.concatenate([yl, npadf])
    xh_p = jnp.concatenate([xh, npadf])
    yh_p = jnp.concatenate([yh, npadf])
    sc_p = jnp.concatenate([scores, npadf])
    lab_p = jnp.concatenate([pred_labels.astype(jnp.int32),
                             jnp.full((_NPAD - _N,), -1, jnp.int32)])
    ord_p = jnp.concatenate([order,
                             jnp.arange(_N, _NPAD, dtype=jnp.int32)])

    out = _nms(xl_p, yl_p, xh_p, yh_p, sc_p, lab_p,
               ord_p, ord_p.reshape(_NW, _OR, _OB), lo_arr, hi_arr)
    return out[:_N]

# --- scband reference (transcript-rebuilt; emitter-appended) ---
"""Pipeline reference for scband-tracking-manager-56075093017004 (READ-ONLY COPY).

The authoritative reference and input builder live on the scoring server;
editing this copy changes nothing except your own understanding.
"""

import jax, jax.numpy as jnp
import numpy as np

N = 5000
SUPPRESS_THRESHOLD = 0.5


def setup_inputs(seed: int = 0) -> dict:
    key = jax.random.key(seed)
    k1, k2, k3, k4 = jax.random.split(key, 4)
    centers = jax.random.uniform(k1, (N, 2), dtype=jnp.float32) * 100.0
    sizes = jax.random.uniform(k2, (N, 2), dtype=jnp.float32) * 8.0 + 0.5
    boxes = jnp.concatenate([centers - sizes / 2.0, centers + sizes / 2.0], axis=1)
    scores = jax.random.uniform(k3, (N,), dtype=jnp.float32)
    pred_labels = jax.random.randint(k4, (N,), 0, 7).astype(jnp.int64)
    return {"boxes": boxes, "scores": scores, "pred_labels": pred_labels}


def _pairwise_iou(boxes):
    # boxes: [N, 4] in (x1, y1, x2, y2) corner format
    lt = jnp.maximum(boxes[:, None, :2], boxes[None, :, :2])  # [N, N, 2]
    rb = jnp.minimum(boxes[:, None, 2:], boxes[None, :, 2:])  # [N, N, 2]
    wh = jnp.clip(rb - lt, 0.0)
    inter = wh[..., 0] * wh[..., 1]
    area = jnp.clip(boxes[:, 2] - boxes[:, 0], 0.0) * jnp.clip(boxes[:, 3] - boxes[:, 1], 0.0)
    union = area[:, None] + area[None, :] - inter
    return inter / jnp.maximum(union, 1e-7)


def reference(boxes, scores, pred_labels):
    # Faithful port of non_max_suppression used by TrackingManager's detection NMS.
    iou = _pairwise_iou(boxes)  # [N, N], ioucal(bboxes, bboxes)
    # cross-class mask: pairs with different labels get -10000 added
    label_mask = (pred_labels[:, None] != pred_labels[None, :]).astype(jnp.float32) * -10000.0
    iou = iou + label_mask
    # upper triangle, diagonal excluded
    iou = jnp.triu(iou, k=1)
    cond = iou > SUPPRESS_THRESHOLD  # pairs (i, j), i < j, overlapping too much
    sdiff = scores[:, None] - scores[None, :]  # confidence_scores[idx1] - confidence_scores[idx2]
    # score <= 0 -> suppress idx1 (row i); score > 0 -> suppress idx2 (col j)
    sup_row = cond & (sdiff <= 0.0)
    sup_col = cond & (sdiff > 0.0)
    suppressed = jnp.any(sup_row, axis=1) | jnp.any(sup_col, axis=0)  # idx[suppress] = -1
    keep_mask = jnp.logical_not(suppressed)  # keep = where(idx >= 0)
    # dense float output: kept boxes retain their score, suppressed get 0
    return scores * keep_mask.astype(scores.dtype)

if __name__ == "__main__":
    import jax
    _d = setup_inputs()
    print(jax.jit(kernel)(*tuple(_d.values())))

</pallas_src>

<mosaic_0001>
#map = affine_map<(d0, d1) -> (0)>
#map1 = affine_map<(d0, d1) -> (0, 0, 0)>
module attributes {stable_mosaic.version = 14 : i64} {
  func.func @_nms_body(%arg0: i32, %arg1: i32, %arg2: memref<5120xf32, #tpu.memory_space<hbm>>, %arg3: memref<5120xf32, #tpu.memory_space<hbm>>, %arg4: memref<5120xf32, #tpu.memory_space<hbm>>, %arg5: memref<5120xf32, #tpu.memory_space<hbm>>, %arg6: memref<5120xf32, #tpu.memory_space<hbm>>, %arg7: memref<5120xi32, #tpu.memory_space<hbm>>, %arg8: memref<5120xi32, #tpu.memory_space<hbm>>, %arg9: memref<32x2x80xi32, #tpu.memory_space<hbm>>, %arg10: memref<32xi32, #tpu.memory_space<hbm>>, %arg11: memref<32xi32, #tpu.memory_space<hbm>>, %arg12: memref<5120xf32, #tpu.memory_space<hbm>>, %arg13: memref<5120xf32, #tpu.memory_space<vmem>>, %arg14: memref<5120xf32, #tpu.memory_space<vmem>>, %arg15: memref<5120xf32, #tpu.memory_space<vmem>>, %arg16: memref<5120xf32, #tpu.memory_space<vmem>>, %arg17: memref<5120xf32, #tpu.memory_space<vmem>>, %arg18: memref<5120xi32, #tpu.memory_space<vmem>>, %arg19: memref<5120xi32, #tpu.memory_space<vmem>>, %arg20: memref<5120xf32, #tpu.memory_space<vmem>>, %arg21: memref<5120xf32, #tpu.memory_space<vmem>>, %arg22: memref<5120xf32, #tpu.memory_space<vmem>>, %arg23: memref<5120xf32, #tpu.memory_space<vmem>>, %arg24: memref<5120xf32, #tpu.memory_space<vmem>>, %arg25: memref<5120xi32, #tpu.memory_space<vmem>>, %arg26: memref<5120xf32, #tpu.memory_space<vmem>>, %arg27: memref<32xi32, #tpu.memory_space<vmem>>, %arg28: memref<32xi32, #tpu.memory_space<vmem>>, %arg29: memref<160xf32, #tpu.memory_space<vmem>>, %arg30: memref<80xi32, #tpu.memory_space<vmem>>, %arg31: memref<80xi32, #tpu.memory_space<vmem>>, %arg32: memref<!tpu.dma_semaphore, #tpu.memory_space<semaphore_mem>>) attributes {dimension_semantics = [#tpu.dimension_semantics<core_parallel>, #tpu.dimension_semantics<subcore_parallel>], iteration_bounds = array<i64: 2, 16>, scalar_prefetch = 0 : i64, scratch_operands = 20 : i64, tpu.core_type = #tpu.core_type<sc_vector_subcore>, window_params = [{transform_indices = #map}, {transform_indices = #map}, {transform_indices = #map}, {transform_indices = #map}, {transform_indices = #map}, {transform_indices = #map}, {transform_indices = #map}, {transform_indices = #map1}, {transform_indices = #map}, {transform_indices = #map}, {transform_indices = #map}]} {
    %mul3A = arith.constant 2 : i32
    %mul3A_0 = arith.muli %arg1, %mul3A : i32
    %add3A = arith.addi %mul3A_0, %arg0 : i32
    "tpu.region"() ({
      %run_scoped3A_60 = tpu.sem_alloc : memref<!tpu.dma_semaphore, #tpu.memory_space<semaphore_mem>>
      tpu.enqueue_dma source(%arg2 : memref<5120xf32, #tpu.memory_space<hbm>>) target(%arg13 : memref<5120xf32, #tpu.memory_space<vmem>>) target_semaphore(%run_scoped3A_60 : memref<!tpu.dma_semaphore, #tpu.memory_space<semaphore_mem>>)
      tpu.wait_dma2 semaphore(%run_scoped3A_60 : memref<!tpu.dma_semaphore, #tpu.memory_space<semaphore_mem>>) src(%arg2 : memref<5120xf32, #tpu.memory_space<hbm>>) dst(%arg13 : memref<5120xf32, #tpu.memory_space<vmem>>)
      tpu.yield
    }) : () -> ()
    "tpu.region"() ({
      %run_scoped3A_60 = tpu.sem_alloc : memref<!tpu.dma_semaphore, #tpu.memory_space<semaphore_mem>>
      tpu.enqueue_dma source(%arg3 : memref<5120xf32, #tpu.memory_space<hbm>>) target(%arg14 : memref<5120xf32, #tpu.memory_space<vmem>>) target_semaphore(%run_scoped3A_60 : memref<!tpu.dma_semaphore, #tpu.memory_space<semaphore_mem>>)
      tpu.wait_dma2 semaphore(%run_scoped3A_60 : memref<!tpu.dma_semaphore, #tpu.memory_space<semaphore_mem>>) src(%arg3 : memref<5120xf32, #tpu.memory_space<hbm>>) dst(%arg14 : memref<5120xf32, #tpu.memory_space<vmem>>)
      tpu.yield
    }) : () -> ()
    "tpu.region"() ({
      %run_scoped3A_60 = tpu.sem_alloc : memref<!tpu.dma_semaphore, #tpu.memory_space<semaphore_mem>>
      tpu.enqueue_dma source(%arg4 : memref<5120xf32, #tpu.memory_space<hbm>>) target(%arg15 : memref<5120xf32, #tpu.memory_space<vmem>>) target_semaphore(%run_scoped3A_60 : memref<!tpu.dma_semaphore, #tpu.memory_space<semaphore_mem>>)
      tpu.wait_dma2 semaphore(%run_scoped3A_60 : memref<!tpu.dma_semaphore, #tpu.memory_space<semaphore_mem>>) src(%arg4 : memref<5120xf32, #tpu.memory_space<hbm>>) dst(%arg15 : memref<5120xf32, #tpu.memory_space<vmem>>)
      tpu.yield
    }) : () -> ()
    "tpu.region"() ({
      %run_scoped3A_60 = tpu.sem_alloc : memref<!tpu.dma_semaphore, #tpu.memory_space<semaphore_mem>>
      tpu.enqueue_dma source(%arg5 : memref<5120xf32, #tpu.memory_space<hbm>>) target(%arg16 : memref<5120xf32, #tpu.memory_space<vmem>>) target_semaphore(%run_scoped3A_60 : memref<!tpu.dma_semaphore, #tpu.memory_space<semaphore_mem>>)
      tpu.wait_dma2 semaphore(%run_scoped3A_60 : memref<!tpu.dma_semaphore, #tpu.memory_space<semaphore_mem>>) src(%arg5 : memref<5120xf32, #tpu.memory_space<hbm>>) dst(%arg16 : memref<5120xf32, #tpu.memory_space<vmem>>)
      tpu.yield
    }) : () -> ()
    "tpu.region"() ({
      %run_scoped3A_60 = tpu.sem_alloc : memref<!tpu.dma_semaphore, #tpu.memory_space<semaphore_mem>>
      tpu.enqueue_dma source(%arg6 : memref<5120xf32, #tpu.memory_space<hbm>>) target(%arg17 : memref<5120xf32, #tpu.memory_space<vmem>>) target_semaphore(%run_scoped3A_60 : memref<!tpu.dma_semaphore, #tpu.memory_space<semaphore_mem>>)
      tpu.wait_dma2 semaphore(%run_scoped3A_60 : memref<!tpu.dma_semaphore, #tpu.memory_space<semaphore_mem>>) src(%arg6 : memref<5120xf32, #tpu.memory_space<hbm>>) dst(%arg17 : memref<5120xf32, #tpu.memory_space<vmem>>)
      tpu.yield
    }) : () -> ()
    "tpu.region"() ({
      %run_scoped3A_60 = tpu.sem_alloc : memref<!tpu.dma_semaphore, #tpu.memory_space<semaphore_mem>>
      tpu.enqueue_dma source(%arg7 : memref<5120xi32, #tpu.memory_space<hbm>>) target(%arg18 : memref<5120xi32, #tpu.memory_space<vmem>>) target_semaphore(%run_scoped3A_60 : memref<!tpu.dma_semaphore, #tpu.memory_space<semaphore_mem>>)
      tpu.wait_dma2 semaphore(%run_scoped3A_60 : memref<!tpu.dma_semaphore, #tpu.memory_space<semaphore_mem>>) src(%arg7 : memref<5120xi32, #tpu.memory_space<hbm>>) dst(%arg18 : memref<5120xi32, #tpu.memory_space<vmem>>)
      tpu.yield
    }) : () -> ()
    "tpu.region"() ({
      %run_scoped3A_60 = tpu.sem_alloc : memref<!tpu.dma_semaphore, #tpu.memory_space<semaphore_mem>>
      tpu.enqueue_dma source(%arg8 : memref<5120xi32, #tpu.memory_space<hbm>>) target(%arg19 : memref<5120xi32, #tpu.memory_space<vmem>>) target_semaphore(%run_scoped3A_60 : memref<!tpu.dma_semaphore, #tpu.memory_space<semaphore_mem>>)
      tpu.wait_dma2 semaphore(%run_scoped3A_60 : memref<!tpu.dma_semaphore, #tpu.memory_space<semaphore_mem>>) src(%arg8 : memref<5120xi32, #tpu.memory_space<hbm>>) dst(%arg19 : memref<5120xi32, #tpu.memory_space<vmem>>)
      tpu.yield
    }) : () -> ()
    "tpu.region"() ({
      %run_scoped3A_60 = tpu.sem_alloc : memref<!tpu.dma_semaphore, #tpu.memory_space<semaphore_mem>>
      tpu.enqueue_dma source(%arg10 : memref<32xi32, #tpu.memory_space<hbm>>) target(%arg27 : memref<32xi32, #tpu.memory_space<vmem>>) target_semaphore(%run_scoped3A_60 : memref<!tpu.dma_semaphore, #tpu.memory_space<semaphore_mem>>)
      tpu.wait_dma2 semaphore(%run_scoped3A_60 : memref<!tpu.dma_semaphore, #tpu.memory_space<semaphore_mem>>) src(%arg10 : memref<32xi32, #tpu.memory_space<hbm>>) dst(%arg27 : memref<32xi32, #tpu.memory_space<vmem>>)
      tpu.yield
    }) : () -> ()
    "tpu.region"() ({
      %run_scoped3A_60 = tpu.sem_alloc : memref<!tpu.dma_semaphore, #tpu.memory_space<semaphore_mem>>
      tpu.enqueue_dma source(%arg11 : memref<32xi32, #tpu.memory_space<hbm>>) target(%arg28 : memref<32xi32, #tpu.memory_space<vmem>>) target_semaphore(%run_scoped3A_60 : memref<!tpu.dma_semaphore, #tpu.memory_space<semaphore_mem>>)
      tpu.wait_dma2 semaphore(%run_scoped3A_60 : memref<!tpu.dma_semaphore, #tpu.memory_space<semaphore_mem>>) src(%arg11 : memref<32xi32, #tpu.memory_space<hbm>>) dst(%arg28 : memref<32xi32, #tpu.memory_space<vmem>>)
      tpu.yield
    }) : () -> ()
    %iota3A = tpu.iota {dimensions = array<i32: 0>} : vector<16xi32>
    %eq3A = arith.constant 0 : i32
    %eq3A_1 = vector.broadcast %eq3A : i32 to vector<16xi32>
    %eq3A_2 = arith.cmpi eq, %iota3A, %eq3A_1 : vector<16xi32>
    %broadcast_in_dim3A = vector.broadcast %add3A : i32 to vector<16xi32>
    %gather3A = tpu.vector_load_idx %arg27[%broadcast_in_dim3A] : memref<32xi32, #tpu.memory_space<vmem>>[vector<16xi32>], vector<16xi32>,
    %reduce_max3A = arith.constant true
    %reduce_max3A_3 = vector.broadcast %reduce_max3A : i1 to vector<16xi1>
    %reduce_max3A_4 = arith.constant -2147483648 : i32
    %reduce_max3A_5 = vector.broadcast %reduce_max3A_4 : i32 to vector<16xi32>
    %reduce_max3A_6 = arith.xori %gather3A, %reduce_max3A_5 : vector<16xi32>
    %reduce_max3A_7 = tpu.scan <max>, %reduce_max3A_6 masked %reduce_max3A_3 : vector<16xi32>, vector<16xi1> -> vector<16xi32>
    %reduce_max3A_8 = arith.xori %reduce_max3A_7, %reduce_max3A_5 : vector<16xi32>
    %reduce_max3A_9 = vector.extract %reduce_max3A_8[15] : i32 from vector<16xi32>
    %gather3A_10 = tpu.vector_load_idx %arg28[%broadcast_in_dim3A] : memref<32xi32, #tpu.memory_space<vmem>>[vector<16xi32>], vector<16xi32>,
    %reduce_max3A_11 = arith.constant true
    %reduce_max3A_12 = vector.broadcast %reduce_max3A_11 : i1 to vector<16xi1>
    %reduce_max3A_13 = arith.constant -2147483648 : i32
    %reduce_max3A_14 = vector.broadcast %reduce_max3A_13 : i32 to vector<16xi32>
    %reduce_max3A_15 = arith.xori %gather3A_10, %reduce_max3A_14 : vector<16xi32>
    %reduce_max3A_16 = tpu.scan <max>, %reduce_max3A_15 masked %reduce_max3A_12 : vector<16xi32>, vector<16xi1> -> vector<16xi32>
    %reduce_max3A_17 = arith.xori %reduce_max3A_16, %reduce_max3A_14 : vector<16xi32>
    %reduce_max3A_18 = vector.extract %reduce_max3A_17[15] : i32 from vector<16xi32>
    %shift_right_arithmetic3A = arith.constant 4 : i32
    %shift_right_arithmetic3A_19 = arith.shrsi %reduce_max3A_9, %shift_right_arithmetic3A : i32
    %add3A_20 = arith.constant 15 : i32
    %add3A_21 = arith.addi %reduce_max3A_18, %add3A_20 : i32
    %shift_right_arithmetic3A_22 = arith.constant 4 : i32
    %shift_right_arithmetic3A_23 = arith.shrsi %add3A_21, %shift_right_arithmetic3A_22 : i32
    %mul3A_24 = arith.constant 160 : i32
    %mul3A_25 = arith.muli %add3A, %mul3A_24 : i32
    %mul3A_26 = arith.constant 10 : i32
    %mul3A_27 = arith.muli %add3A, %mul3A_26 : i32
    %min3A = arith.minsi %shift_right_arithmetic3A_19, %mul3A_27 : i32
    %mul3A_28 = arith.constant 10 : i32
    %mul3A_29 = arith.muli %add3A, %mul3A_28 : i32
    %add3A_30 = arith.constant 10 : i32
    %add3A_31 = arith.addi %mul3A_29, %add3A_30 : i32
    %max3A = arith.maxsi %shift_right_arithmetic3A_23, %add3A_31 : i32
    %while3A = arith.constant 0 : i32
    %while3A_32 = arith.subi %max3A, %min3A : i32
    %while3A_33 = arith.addi %min3A, %while3A_32 : i32
    %while3A_34 = arith.constant 1 : i32
    %while3A_35 = arith.divsi %while3A_32, %while3A_34 : i32
    %while3A_36 = arith.muli %while3A_35, %while3A_34 : i32
    %while3A_37 = arith.addi %min3A, %while3A_36 : i32
    %while3A_38 = arith.constant 1 : i32
    scf.for %while3A_60 = %min3A to %while3A_37 step %while3A_38  : i32 {
      %mul3A_61 = arith.constant 16 : i32
      %mul3A_62 = arith.muli %while3A_60, %mul3A_61 : i32
      %get3A = arith.index_cast %mul3A_62 : i32 to index
      %get3A_63 = tpu.vector_load %arg19[%get3A] {strides = array<i32>} : memref<5120xi32, #tpu.memory_space<vmem>>, vector<16xi32>,
      %gather3A_64 = tpu.vector_load_idx %arg13[%get3A_63] : memref<5120xf32, #tpu.memory_space<vmem>>[vector<16xi32>], vector<16xf32>,
      %gather3A_65 = tpu.vector_load_idx %arg14[%get3A_63] : memref<5120xf32, #tpu.memory_space<vmem>>[vector<16xi32>], vector<16xf32>,
      %gather3A_66 = tpu.vector_load_idx %arg15[%get3A_63] : memref<5120xf32, #tpu.memory_space<vmem>>[vector<16xi32>], vector<16xf32>,
      %gather3A_67 = tpu.vector_load_idx %arg16[%get3A_63] : memref<5120xf32, #tpu.memory_space<vmem>>[vector<16xi32>], vector<16xf32>,
      %swap3A = arith.index_cast %mul3A_62 : i32 to index
      %swap3A_68 = tpu.vector_load %arg20[%swap3A] {strides = array<i32>} : memref<5120xf32, #tpu.memory_space<vmem>>, vector<16xf32>,
      tpu.vector_store %arg20[%swap3A], %gather3A_64 {strides = array<i32>} : memref<5120xf32, #tpu.memory_space<vmem>>, vector<16xf32>,
      %swap3A_69 = arith.index_cast %mul3A_62 : i32 to index
      %swap3A_70 = tpu.vector_load %arg21[%swap3A_69] {strides = array<i32>} : memref<5120xf32, #tpu.memory_space<vmem>>, vector<16xf32>,
      tpu.vector_store %arg21[%swap3A_69], %gather3A_65 {strides = array<i32>} : memref<5120xf32, #tpu.memory_space<vmem>>, vector<16xf32>,
      %swap3A_71 = arith.index_cast %mul3A_62 : i32 to index
      %swap3A_72 = tpu.vector_load %arg22[%swap3A_71] {strides = array<i32>} : memref<5120xf32, #tpu.memory_space<vmem>>, vector<16xf32>,
      tpu.vector_store %arg22[%swap3A_71], %gather3A_66 {strides = array<i32>} : memref<5120xf32, #tpu.memory_space<vmem>>, vector<16xf32>,
      %swap3A_73 = arith.index_cast %mul3A_62 : i32 to index
      %swap3A_74 = tpu.vector_load %arg23[%swap3A_73] {strides = array<i32>} : memref<5120xf32, #tpu.memory_space<vmem>>, vector<16xf32>,
      tpu.vector_store %arg23[%swap3A_73], %gather3A_67 {strides = array<i32>} : memref<5120xf32, #tpu.memory_space<vmem>>, vector<16xf32>,
      %gather3A_75 = tpu.vector_load_idx %arg17[%get3A_63] : memref<5120xf32, #tpu.memory_space<vmem>>[vector<16xi32>], vector<16xf32>,
      %swap3A_76 = arith.index_cast %mul3A_62 : i32 to index
      %swap3A_77 = tpu.vector_load %arg24[%swap3A_76] {strides = array<i32>} : memref<5120xf32, #tpu.memory_space<vmem>>, vector<16xf32>,
      tpu.vector_store %arg24[%swap3A_76], %gather3A_75 {strides = array<i32>} : memref<5120xf32, #tpu.memory_space<vmem>>, vector<16xf32>,
      %gather3A_78 = tpu.vector_load_idx %arg18[%get3A_63] : memref<5120xi32, #tpu.memory_space<vmem>>[vector<16xi32>], vector<16xi32>,
      %shift_left3A = arith.constant 3 : i32
      %shift_left3A_79 = vector.broadcast %shift_left3A : i32 to vector<16xi32>
      %shift_left3A_80 = arith.shli %get3A_63, %shift_left3A_79 : vector<16xi32>
      %and3A = arith.constant 7 : i32
      %and3A_81 = vector.broadcast %and3A : i32 to vector<16xi32>
      %and3A_82 = arith.andi %gather3A_78, %and3A_81 : vector<16xi32>
      %or3A = arith.ori %shift_left3A_80, %and3A_82 : vector<16xi32>
      %swap3A_83 = arith.index_cast %mul3A_62 : i32 to index
      %swap3A_84 = tpu.vector_load %arg25[%swap3A_83] {strides = array<i32>} : memref<5120xi32, #tpu.memory_space<vmem>>, vector<16xi32>,
      tpu.vector_store %arg25[%swap3A_83], %or3A {strides = array<i32>} : memref<5120xi32, #tpu.memory_space<vmem>>, vector<16xi32>,
      %sub3A = arith.subf %gather3A_66, %gather3A_64 : vector<16xf32>
      %sub3A_85 = arith.subf %gather3A_67, %gather3A_65 : vector<16xf32>
      %mul3A_86 = arith.mulf %sub3A, %sub3A_85 : vector<16xf32>
      %swap3A_87 = arith.index_cast %mul3A_62 : i32 to index
      %swap3A_88 = tpu.vector_load %arg26[%swap3A_87] {strides = array<i32>} : memref<5120xf32, #tpu.memory_space<vmem>>, vector<16xf32>,
      tpu.vector_store %arg26[%swap3A_87], %mul3A_86 {strides = array<i32>} : memref<5120xf32, #tpu.memory_space<vmem>>, vector<16xf32>,
    }
    %while3A_39 = arith.constant 1 : i32
    scf.for %while3A_60 = %while3A_37 to %while3A_33 step %while3A_39  : i32 {
      %mul3A_61 = arith.constant 16 : i32
      %mul3A_62 = arith.muli %while3A_60, %mul3A_61 : i32
      %get3A = arith.index_cast %mul3A_62 : i32 to index
      %get3A_63 = tpu.vector_load %arg19[%get3A] {strides = array<i32>} : memref<5120xi32, #tpu.memory_space<vmem>>, vector<16xi32>,
      %gather3A_64 = tpu.vector_load_idx %arg13[%get3A_63] : memref<5120xf32, #tpu.memory_space<vmem>>[vector<16xi32>], vector<16xf32>,
      %gather3A_65 = tpu.vector_load_idx %arg14[%get3A_63] : memref<5120xf32, #tpu.memory_space<vmem>>[vector<16xi32>], vector<16xf32>,
      %gather3A_66 = tpu.vector_load_idx %arg15[%get3A_63] : memref<5120xf32, #tpu.memory_space<vmem>>[vector<16xi32>], vector<16xf32>,
      %gather3A_67 = tpu.vector_load_idx %arg16[%get3A_63] : memref<5120xf32, #tpu.memory_space<vmem>>[vector<16xi32>], vector<16xf32>,
      %swap3A = arith.index_cast %mul3A_62 : i32 to index
      %swap3A_68 = tpu.vector_load %arg20[%swap3A] {strides = array<i32>} : memref<5120xf32, #tpu.memory_space<vmem>>, vector<16xf32>,
      tpu.vector_store %arg20[%swap3A], %gather3A_64 {strides = array<i32>} : memref<5120xf32, #tpu.memory_space<vmem>>, vector<16xf32>,
      %swap3A_69 = arith.index_cast %mul3A_62 : i32 to index
      %swap3A_70 = tpu.vector_load %arg21[%swap3A_69] {strides = array<i32>} : memref<5120xf32, #tpu.memory_space<vmem>>, vector<16xf32>,
      tpu.vector_store %arg21[%swap3A_69], %gather3A_65 {strides = array<i32>} : memref<5120xf32, #tpu.memory_space<vmem>>, vector<16xf32>,
      %swap3A_71 = arith.index_cast %mul3A_62 : i32 to index
      %swap3A_72 = tpu.vector_load %arg22[%swap3A_71] {strides = array<i32>} : memref<5120xf32, #tpu.memory_space<vmem>>, vector<16xf32>,
      tpu.vector_store %arg22[%swap3A_71], %gather3A_66 {strides = array<i32>} : memref<5120xf32, #tpu.memory_space<vmem>>, vector<16xf32>,
      %swap3A_73 = arith.index_cast %mul3A_62 : i32 to index
      %swap3A_74 = tpu.vector_load %arg23[%swap3A_73] {strides = array<i32>} : memref<5120xf32, #tpu.memory_space<vmem>>, vector<16xf32>,
      tpu.vector_store %arg23[%swap3A_73], %gather3A_67 {strides = array<i32>} : memref<5120xf32, #tpu.memory_space<vmem>>, vector<16xf32>,
      %gather3A_75 = tpu.vector_load_idx %arg17[%get3A_63] : memref<5120xf32, #tpu.memory_space<vmem>>[vector<16xi32>], vector<16xf32>,
      %swap3A_76 = arith.index_cast %mul3A_62 : i32 to index
      %swap3A_77 = tpu.vector_load %arg24[%swap3A_76] {strides = array<i32>} : memref<5120xf32, #tpu.memory_space<vmem>>, vector<16xf32>,
      tpu.vector_store %arg24[%swap3A_76], %gather3A_75 {strides = array<i32>} : memref<5120xf32, #tpu.memory_space<vmem>>, vector<16xf32>,
      %gather3A_78 = tpu.vector_load_idx %arg18[%get3A_63] : memref<5120xi32, #tpu.memory_space<vmem>>[vector<16xi32>], vector<16xi32>,
      %shift_left3A = arith.constant 3 : i32
      %shift_left3A_79 = vector.broadcast %shift_left3A : i32 to vector<16xi32>
      %shift_left3A_80 = arith.shli %get3A_63, %shift_left3A_79 : vector<16xi32>
      %and3A = arith.constant 7 : i32
      %and3A_81 = vector.broadcast %and3A : i32 to vector<16xi32>
      %and3A_82 = arith.andi %gather3A_78, %and3A_81 : vector<16xi32>
      %or3A = arith.ori %shift_left3A_80, %and3A_82 : vector<16xi32>
      %swap3A_83 = arith.index_cast %mul3A_62 : i32 to index
      %swap3A_84 = tpu.vector_load %arg25[%swap3A_83] {strides = array<i32>} : memref<5120xi32, #tpu.memory_space<vmem>>, vector<16xi32>,
      tpu.vector_store %arg25[%swap3A_83], %or3A {strides = array<i32>} : memref<5120xi32, #tpu.memory_space<vmem>>, vector<16xi32>,
      %sub3A = arith.subf %gather3A_66, %gather3A_64 : vector<16xf32>
      %sub3A_85 = arith.subf %gather3A_67, %gather3A_65 : vector<16xf32>
      %mul3A_86 = arith.mulf %sub3A, %sub3A_85 : vector<16xf32>
      %swap3A_87 = arith.index_cast %mul3A_62 : i32 to index
      %swap3A_88 = tpu.vector_load %arg26[%swap3A_87] {strides = array<i32>} : memref<5120xf32, #tpu.memory_space<vmem>>, vector<16xf32>,
      tpu.vector_store %arg26[%swap3A_87], %mul3A_86 {strides = array<i32>} : memref<5120xf32, #tpu.memory_space<vmem>>, vector<16xf32>,
    }
    %scan3A = arith.constant 0 : i32
    %scan3A_40 = arith.constant 0 : i32
    %scan3A_41 = arith.constant 80 : i32
    %scan3A_42 = arith.addi %scan3A_40, %scan3A_41 : i32
    %scan3A_43 = arith.constant 1 : i32
    scf.for %scan3A_60 = %scan3A_40 to %scan3A_42 step %scan3A_43  : i32 {
      %mul3A_61 = arith.constant 2 : i32
      %mul3A_62 = arith.muli %scan3A_60, %mul3A_61 : i32
      %add3A_63 = arith.constant 1 : i32
      %add3A_64 = arith.addi %mul3A_62, %add3A_63 : i32
      %add3A_65 = arith.addi %mul3A_25, %mul3A_62 : i32
      %broadcast_in_dim3A_66 = vector.broadcast %add3A_65 : i32 to vector<16xi32>
      %gather3A_67 = tpu.vector_load_idx %arg20[%broadcast_in_dim3A_66] : memref<5120xf32, #tpu.memory_space<vmem>>[vector<16xi32>], vector<16xf32>,
      %gather3A_68 = tpu.vector_load_idx %arg21[%broadcast_in_dim3A_66] : memref<5120xf32, #tpu.memory_space<vmem>>[vector<16xi32>], vector<16xf32>,
      %gather3A_69 = tpu.vector_load_idx %arg22[%broadcast_in_dim3A_66] : memref<5120xf32, #tpu.memory_space<vmem>>[vector<16xi32>], vector<16xf32>,
      %gather3A_70 = tpu.vector_load_idx %arg23[%broadcast_in_dim3A_66] : memref<5120xf32, #tpu.memory_space<vmem>>[vector<16xi32>], vector<16xf32>,
      %gather3A_71 = tpu.vector_load_idx %arg24[%broadcast_in_dim3A_66] : memref<5120xf32, #tpu.memory_space<vmem>>[vector<16xi32>], vector<16xf32>,
      %gather3A_72 = tpu.vector_load_idx %arg25[%broadcast_in_dim3A_66] : memref<5120xi32, #tpu.memory_space<vmem>>[vector<16xi32>], vector<16xi32>,
      %gather3A_73 = tpu.vector_load_idx %arg26[%broadcast_in_dim3A_66] : memref<5120xf32, #tpu.memory_space<vmem>>[vector<16xi32>], vector<16xf32>,
      %add3A_74 = arith.addi %mul3A_25, %add3A_64 : i32
      %broadcast_in_dim3A_75 = vector.broadcast %add3A_74 : i32 to vector<16xi32>
      %gather3A_76 = tpu.vector_load_idx %arg20[%broadcast_in_dim3A_75] : memref<5120xf32, #tpu.memory_space<vmem>>[vector<16xi32>], vector<16xf32>,
      %gather3A_77 = tpu.vector_load_idx %arg21[%broadcast_in_dim3A_75] : memref<5120xf32, #tpu.memory_space<vmem>>[vector<16xi32>], vector<16xf32>,
      %gather3A_78 = tpu.vector_load_idx %arg22[%broadcast_in_dim3A_75] : memref<5120xf32, #tpu.memory_space<vmem>>[vector<16xi32>], vector<16xf32>,
      %gather3A_79 = tpu.vector_load_idx %arg23[%broadcast_in_dim3A_75] : memref<5120xf32, #tpu.memory_space<vmem>>[vector<16xi32>], vector<16xf32>,
      %gather3A_80 = tpu.vector_load_idx %arg24[%broadcast_in_dim3A_75] : memref<5120xf32, #tpu.memory_space<vmem>>[vector<16xi32>], vector<16xf32>,
      %gather3A_81 = tpu.vector_load_idx %arg25[%broadcast_in_dim3A_75] : memref<5120xi32, #tpu.memory_space<vmem>>[vector<16xi32>], vector<16xi32>,
      %gather3A_82 = tpu.vector_load_idx %arg26[%broadcast_in_dim3A_75] : memref<5120xf32, #tpu.memory_space<vmem>>[vector<16xi32>], vector<16xf32>,
      %broadcast_in_dim3A_83 = arith.constant false
      %broadcast_in_dim3A_84 = vector.broadcast %broadcast_in_dim3A_83 : i1 to vector<16xi1>
      %while3A_85 = arith.subi %shift_right_arithmetic3A_23, %shift_right_arithmetic3A_19 : i32
      %while3A_86 = arith.addi %shift_right_arithmetic3A_19, %while3A_85 : i32
      %while3A_87 = arith.constant 1 : i32
      %while3A_88 = arith.divsi %while3A_85, %while3A_87 : i32
      %while3A_89 = arith.muli %while3A_88, %while3A_87 : i32
      %while3A_90 = arith.addi %shift_right_arithmetic3A_19, %while3A_89 : i32
      %while3A_91 = arith.constant 1 : i32
      %while3A_92:2 = scf.for %while3A_124 = %shift_right_arithmetic3A_19 to %while3A_90 step %while3A_91 iter_args(%while3A_125 = %broadcast_in_dim3A_84, %while3A_126 = %broadcast_in_dim3A_84) -> (vector<16xi1>, vector<16xi1>)  : i32 {
        %mul3A_127 = arith.constant 16 : i32
        %mul3A_128 = arith.muli %while3A_124, %mul3A_127 : i32
        %get3A = arith.index_cast %mul3A_128 : i32 to index
        %get3A_129 = tpu.vector_load %arg20[%get3A] {strides = array<i32>} : memref<5120xf32, #tpu.memory_space<vmem>>, vector<16xf32>,
        %get3A_130 = arith.index_cast %mul3A_128 : i32 to index
        %get3A_131 = tpu.vector_load %arg21[%get3A_130] {strides = array<i32>} : memref<5120xf32, #tpu.memory_space<vmem>>, vector<16xf32>,
        %get3A_132 = arith.index_cast %mul3A_128 : i32 to index
        %get3A_133 = tpu.vector_load %arg22[%get3A_132] {strides = array<i32>} : memref<5120xf32, #tpu.memory_space<vmem>>, vector<16xf32>,
        %get3A_134 = arith.index_cast %mul3A_128 : i32 to index
        %get3A_135 = tpu.vector_load %arg23[%get3A_134] {strides = array<i32>} : memref<5120xf32, #tpu.memory_space<vmem>>, vector<16xf32>,
        %get3A_136 = arith.index_cast %mul3A_128 : i32 to index
        %get3A_137 = tpu.vector_load %arg24[%get3A_136] {strides = array<i32>} : memref<5120xf32, #tpu.memory_space<vmem>>, vector<16xf32>,
        %get3A_138 = arith.index_cast %mul3A_128 : i32 to index
        %get3A_139 = tpu.vector_load %arg25[%get3A_138] {strides = array<i32>} : memref<5120xi32, #tpu.memory_space<vmem>>, vector<16xi32>,
        %get3A_140 = arith.index_cast %mul3A_128 : i32 to index
        %get3A_141 = tpu.vector_load %arg26[%get3A_140] {strides = array<i32>} : memref<5120xf32, #tpu.memory_space<vmem>>, vector<16xf32>,
        %min3A_142 = arith.minimumf %gather3A_69, %get3A_133 : vector<16xf32>
        %max3A_143 = arith.maximumf %gather3A_67, %get3A_129 : vector<16xf32>
        %sub3A = arith.subf %min3A_142, %max3A_143 : vector<16xf32>
        %max3A_144 = arith.constant 0.000000e+00 : f32
        %max3A_145 = vector.broadcast %max3A_144 : f32 to vector<16xf32>
        %max3A_146 = arith.maximumf %sub3A, %max3A_145 : vector<16xf32>
        %min3A_147 = arith.minimumf %gather3A_70, %get3A_135 : vector<16xf32>
        %max3A_148 = arith.maximumf %gather3A_68, %get3A_131 : vector<16xf32>
        %sub3A_149 = arith.subf %min3A_147, %max3A_148 : vector<16xf32>
        %max3A_150 = arith.constant 0.000000e+00 : f32
        %max3A_151 = vector.broadcast %max3A_150 : f32 to vector<16xf32>
        %max3A_152 = arith.maximumf %sub3A_149, %max3A_151 : vector<16xf32>
        %mul3A_153 = arith.mulf %max3A_146, %max3A_152 : vector<16xf32>
        %add3A_154 = arith.addf %gather3A_73, %get3A_141 : vector<16xf32>
        %sub3A_155 = arith.subf %add3A_154, %mul3A_153 : vector<16xf32>
        %add3A_156 = arith.addf %mul3A_153, %mul3A_153 : vector<16xf32>
        %gt3A = arith.cmpf ogt, %add3A_156, %sub3A_155 : vector<16xf32>
        %xor3A = arith.xori %get3A_139, %gather3A_72 : vector<16xi32>
        %and3A = arith.constant 7 : i32
        %and3A_157 = vector.broadcast %and3A : i32 to vector<16xi32>
        %and3A_158 = arith.andi %xor3A, %and3A_157 : vector<16xi32>
        %eq3A_159 = arith.constant 0 : i32
        %eq3A_160 = vector.broadcast %eq3A_159 : i32 to vector<16xi32>
        %eq3A_161 = arith.cmpi eq, %and3A_158, %eq3A_160 : vector<16xi32>
        %gt3A_162 = arith.cmpf ogt, %get3A_137, %gather3A_71 : vector<16xf32>
        %eq3A_163 = arith.cmpf oeq, %get3A_137, %gather3A_71 : vector<16xf32>
        %gt3A_164 = arith.cmpi sgt, %get3A_139, %gather3A_72 : vector<16xi32>
        %and3A_165 = arith.andi %eq3A_163, %gt3A_164 : vector<16xi1>
        %or3A = arith.ori %gt3A_162, %and3A_165 : vector<16xi1>
        %and3A_166 = arith.andi %gt3A, %eq3A_161 : vector<16xi1>
        %and3A_167 = arith.andi %and3A_166, %or3A : vector<16xi1>
        %or3A_168 = arith.ori %while3A_125, %and3A_167 : vector<16xi1>
        %min3A_169 = arith.minimumf %gather3A_78, %get3A_133 : vector<16xf32>
        %max3A_170 = arith.maximumf %gather3A_76, %get3A_129 : vector<16xf32>
        %sub3A_171 = arith.subf %min3A_169, %max3A_170 : vector<16xf32>
        %max3A_172 = arith.constant 0.000000e+00 : f32
        %max3A_173 = vector.broadcast %max3A_172 : f32 to vector<16xf32>
        %max3A_174 = arith.maximumf %sub3A_171, %max3A_173 : vector<16xf32>
        %min3A_175 = arith.minimumf %gather3A_79, %get3A_135 : vector<16xf32>
        %max3A_176 = arith.maximumf %gather3A_77, %get3A_131 : vector<16xf32>
        %sub3A_177 = arith.subf %min3A_175, %max3A_176 : vector<16xf32>
        %max3A_178 = arith.constant 0.000000e+00 : f32
        %max3A_179 = vector.broadcast %max3A_178 : f32 to vector<16xf32>
        %max3A_180 = arith.maximumf %sub3A_177, %max3A_179 : vector<16xf32>
        %mul3A_181 = arith.mulf %max3A_174, %max3A_180 : vector<16xf32>
        %add3A_182 = arith.addf %gather3A_82, %get3A_141 : vector<16xf32>
        %sub3A_183 = arith.subf %add3A_182, %mul3A_181 : vector<16xf32>
        %add3A_184 = arith.addf %mul3A_181, %mul3A_181 : vector<16xf32>
        %gt3A_185 = arith.cmpf ogt, %add3A_184, %sub3A_183 : vector<16xf32>
        %xor3A_186 = arith.xori %get3A_139, %gather3A_81 : vector<16xi32>
        %and3A_187 = arith.constant 7 : i32
        %and3A_188 = vector.broadcast %and3A_187 : i32 to vector<16xi32>
        %and3A_189 = arith.andi %xor3A_186, %and3A_188 : vector<16xi32>
        %eq3A_190 = arith.constant 0 : i32
        %eq3A_191 = vector.broadcast %eq3A_190 : i32 to vector<16xi32>
        %eq3A_192 = arith.cmpi eq, %and3A_189, %eq3A_191 : vector<16xi32>
        %gt3A_193 = arith.cmpf ogt, %get3A_137, %gather3A_80 : vector<16xf32>
        %eq3A_194 = arith.cmpf oeq, %get3A_137, %gather3A_80 : vector<16xf32>
        %gt3A_195 = arith.cmpi sgt, %get3A_139, %gather3A_81 : vector<16xi32>
        %and3A_196 = arith.andi %eq3A_194, %gt3A_195 : vector<16xi1>
        %or3A_197 = arith.ori %gt3A_193, %and3A_196 : vector<16xi1>
        %and3A_198 = arith.andi %gt3A_185, %eq3A_192 : vector<16xi1>
        %and3A_199 = arith.andi %and3A_198, %or3A_197 : vector<16xi1>
        %or3A_200 = arith.ori %while3A_126, %and3A_199 : vector<16xi1>
        scf.yield %or3A_168, %or3A_200 : vector<16xi1>, vector<16xi1>
      }
      %while3A_93 = arith.constant 1 : i32
      %while3A_94:2 = scf.for %while3A_124 = %while3A_90 to %while3A_86 step %while3A_93 iter_args(%while3A_125 = %while3A_92#0, %while3A_126 = %while3A_92#1) -> (vector<16xi1>, vector<16xi1>)  : i32 {
        %mul3A_127 = arith.constant 16 : i32
        %mul3A_128 = arith.muli %while3A_124, %mul3A_127 : i32
        %get3A = arith.index_cast %mul3A_128 : i32 to index
        %get3A_129 = tpu.vector_load %arg20[%get3A] {strides = array<i32>} : memref<5120xf32, #tpu.memory_space<vmem>>, vector<16xf32>,
        %get3A_130 = arith.index_cast %mul3A_128 : i32 to index
        %get3A_131 = tpu.vector_load %arg21[%get3A_130] {strides = array<i32>} : memref<5120xf32, #tpu.memory_space<vmem>>, vector<16xf32>,
        %get3A_132 = arith.index_cast %mul3A_128 : i32 to index
        %get3A_133 = tpu.vector_load %arg22[%get3A_132] {strides = array<i32>} : memref<5120xf32, #tpu.memory_space<vmem>>, vector<16xf32>,
        %get3A_134 = arith.index_cast %mul3A_128 : i32 to index
        %get3A_135 = tpu.vector_load %arg23[%get3A_134] {strides = array<i32>} : memref<5120xf32, #tpu.memory_space<vmem>>, vector<16xf32>,
        %get3A_136 = arith.index_cast %mul3A_128 : i32 to index
        %get3A_137 = tpu.vector_load %arg24[%get3A_136] {strides = array<i32>} : memref<5120xf32, #tpu.memory_space<vmem>>, vector<16xf32>,
        %get3A_138 = arith.index_cast %mul3A_128 : i32 to index
        %get3A_139 = tpu.vector_load %arg25[%get3A_138] {strides = array<i32>} : memref<5120xi32, #tpu.memory_space<vmem>>, vector<16xi32>,
        %get3A_140 = arith.index_cast %mul3A_128 : i32 to index
        %get3A_141 = tpu.vector_load %arg26[%get3A_140] {strides = array<i32>} : memref<5120xf32, #tpu.memory_space<vmem>>, vector<16xf32>,
        %min3A_142 = arith.minimumf %gather3A_69, %get3A_133 : vector<16xf32>
        %max3A_143 = arith.maximumf %gather3A_67, %get3A_129 : vector<16xf32>
        %sub3A = arith.subf %min3A_142, %max3A_143 : vector<16xf32>
        %max3A_144 = arith.constant 0.000000e+00 : f32
        %max3A_145 = vector.broadcast %max3A_144 : f32 to vector<16xf32>
        %max3A_146 = arith.maximumf %sub3A, %max3A_145 : vector<16xf32>
        %min3A_147 = arith.minimumf %gather3A_70, %get3A_135 : vector<16xf32>
        %max3A_148 = arith.maximumf %gather3A_68, %get3A_131 : vector<16xf32>
        %sub3A_149 = arith.subf %min3A_147, %max3A_148 : vector<16xf32>
        %max3A_150 = arith.constant 0.000000e+00 : f32
        %max3A_151 = vector.broadcast %max3A_150 : f32 to vector<16xf32>
        %max3A_152 = arith.maximumf %sub3A_149, %max3A_151 : vector<16xf32>
        %mul3A_153 = arith.mulf %max3A_146, %max3A_152 : vector<16xf32>
        %add3A_154 = arith.addf %gather3A_73, %get3A_141 : vector<16xf32>
        %sub3A_155 = arith.subf %add3A_154, %mul3A_153 : vector<16xf32>
        %add3A_156 = arith.addf %mul3A_153, %mul3A_153 : vector<16xf32>
        %gt3A = arith.cmpf ogt, %add3A_156, %sub3A_155 : vector<16xf32>
        %xor3A = arith.xori %get3A_139, %gather3A_72 : vector<16xi32>
        %and3A = arith.constant 7 : i32
        %and3A_157 = vector.broadcast %and3A : i32 to vector<16xi32>
        %and3A_158 = arith.andi %xor3A, %and3A_157 : vector<16xi32>
        %eq3A_159 = arith.constant 0 : i32
        %eq3A_160 = vector.broadcast %eq3A_159 : i32 to vector<16xi32>
        %eq3A_161 = arith.cmpi eq, %and3A_158, %eq3A_160 : vector<16xi32>
        %gt3A_162 = arith.cmpf ogt, %get3A_137, %gather3A_71 : vector<16xf32>
        %eq3A_163 = arith.cmpf oeq, %get3A_137, %gather3A_71 : vector<16xf32>
        %gt3A_164 = arith.cmpi sgt, %get3A_139, %gather3A_72 : vector<16xi32>
        %and3A_165 = arith.andi %eq3A_163, %gt3A_164 : vector<16xi1>
        %or3A = arith.ori %gt3A_162, %and3A_165 : vector<16xi1>
        %and3A_166 = arith.andi %gt3A, %eq3A_161 : vector<16xi1>
        %and3A_167 = arith.andi %and3A_166, %or3A : vector<16xi1>
        %or3A_168 = arith.ori %while3A_125, %and3A_167 : vector<16xi1>
        %min3A_169 = arith.minimumf %gather3A_78, %get3A_133 : vector<16xf32>
        %max3A_170 = arith.maximumf %gather3A_76, %get3A_129 : vector<16xf32>
        %sub3A_171 = arith.subf %min3A_169, %max3A_170 : vector<16xf32>
        %max3A_172 = arith.constant 0.000000e+00 : f32
        %max3A_173 = vector.broadcast %max3A_172 : f32 to vector<16xf32>
        %max3A_174 = arith.maximumf %sub3A_171, %max3A_173 : vector<16xf32>
        %min3A_175 = arith.minimumf %gather3A_79, %get3A_135 : vector<16xf32>
        %max3A_176 = arith.maximumf %gather3A_77, %get3A_131 : vector<16xf32>
        %sub3A_177 = arith.subf %min3A_175, %max3A_176 : vector<16xf32>
        %max3A_178 = arith.constant 0.000000e+00 : f32
        %max3A_179 = vector.broadcast %max3A_178 : f32 to vector<16xf32>
        %max3A_180 = arith.maximumf %sub3A_177, %max3A_179 : vector<16xf32>
        %mul3A_181 = arith.mulf %max3A_174, %max3A_180 : vector<16xf32>
        %add3A_182 = arith.addf %gather3A_82, %get3A_141 : vector<16xf32>
        %sub3A_183 = arith.subf %add3A_182, %mul3A_181 : vector<16xf32>
        %add3A_184 = arith.addf %mul3A_181, %mul3A_181 : vector<16xf32>
        %gt3A_185 = arith.cmpf ogt, %add3A_184, %sub3A_183 : vector<16xf32>
        %xor3A_186 = arith.xori %get3A_139, %gather3A_81 : vector<16xi32>
        %and3A_187 = arith.constant 7 : i32
        %and3A_188 = vector.broadcast %and3A_187 : i32 to vector<16xi32>
        %and3A_189 = arith.andi %xor3A_186, %and3A_188 : vector<16xi32>
        %eq3A_190 = arith.constant 0 : i32
        %eq3A_191 = vector.broadcast %eq3A_190 : i32 to vector<16xi32>
        %eq3A_192 = arith.cmpi eq, %and3A_189, %eq3A_191 : vector<16xi32>
        %gt3A_193 = arith.cmpf ogt, %get3A_137, %gather3A_80 : vector<16xf32>
        %eq3A_194 = arith.cmpf oeq, %get3A_137, %gather3A_80 : vector<16xf32>
        %gt3A_195 = arith.cmpi sgt, %get3A_139, %gather3A_81 : vector<16xi32>
        %and3A_196 = arith.andi %eq3A_194, %gt3A_195 : vector<16xi1>
        %or3A_197 = arith.ori %gt3A_193, %and3A_196 : vector<16xi1>
        %and3A_198 = arith.andi %gt3A_185, %eq3A_192 : vector<16xi1>
        %and3A_199 = arith.andi %and3A_198, %or3A_197 : vector<16xi1>
        %or3A_200 = arith.ori %while3A_126, %and3A_199 : vector<16xi1>
        scf.yield %or3A_168, %or3A_200 : vector<16xi1>, vector<16xi1>
      }
      %reduce_or3A = arith.constant 1.000000e+00 : f32
      %reduce_or3A_95 = arith.constant 0.000000e+00 : f32
      %reduce_or3A_96 = vector.broadcast %reduce_or3A : f32 to vector<16xf32>
      %reduce_or3A_97 = vector.broadcast %reduce_or3A_95 : f32 to vector<16xf32>
      %reduce_or3A_98 = arith.select %while3A_94#0, %reduce_or3A_96, %reduce_or3A_97 : vector<16xi1>, vector<16xf32>
      %reduce_or3A_99 = arith.constant true
      %reduce_or3A_100 = vector.broadcast %reduce_or3A_99 : i1 to vector<16xi1>
      %reduce_or3A_101 = tpu.scan <max>, %reduce_or3A_98 masked %reduce_or3A_100 : vector<16xf32>, vector<16xi1> -> vector<16xf32>
      %reduce_or3A_102 = vector.extract %reduce_or3A_101[15] : f32 from vector<16xf32>
      %reduce_or3A_103 = arith.constant 0.000000e+00 : f32
      %reduce_or3A_104 = arith.cmpf ogt, %reduce_or3A_102, %reduce_or3A_103 : f32
      %broadcast_in_dim3A_105 = vector.broadcast %reduce_or3A_104 : i1 to vector<16xi1>
      %jit3A = arith.constant 0.000000e+00 : f32
      %broadcast_in_dim3A_106 = vector.broadcast %jit3A : f32 to vector<16xf32>
      %select_n3A = arith.select %broadcast_in_dim3A_105, %broadcast_in_dim3A_106, %gather3A_71 : vector<16xi1>, vector<16xf32>
      %reduce_or3A_107 = arith.constant 1.000000e+00 : f32
      %reduce_or3A_108 = arith.constant 0.000000e+00 : f32
      %reduce_or3A_109 = vector.broadcast %reduce_or3A_107 : f32 to vector<16xf32>
      %reduce_or3A_110 = vector.broadcast %reduce_or3A_108 : f32 to vector<16xf32>
      %reduce_or3A_111 = arith.select %while3A_94#1, %reduce_or3A_109, %reduce_or3A_110 : vector<16xi1>, vector<16xf32>
      %reduce_or3A_112 = arith.constant true
      %reduce_or3A_113 = vector.broadcast %reduce_or3A_112 : i1 to vector<16xi1>
      %reduce_or3A_114 = tpu.scan <max>, %reduce_or3A_111 masked %reduce_or3A_113 : vector<16xf32>, vector<16xi1> -> vector<16xf32>
      %reduce_or3A_115 = vector.extract %reduce_or3A_114[15] : f32 from vector<16xf32>
      %reduce_or3A_116 = arith.constant 0.000000e+00 : f32
      %reduce_or3A_117 = arith.cmpf ogt, %reduce_or3A_115, %reduce_or3A_116 : f32
      %broadcast_in_dim3A_118 = vector.broadcast %reduce_or3A_117 : i1 to vector<16xi1>
      %jit3A_119 = arith.constant 0.000000e+00 : f32
      %broadcast_in_dim3A_120 = vector.broadcast %jit3A_119 : f32 to vector<16xf32>
      %select_n3A_121 = arith.select %broadcast_in_dim3A_118, %broadcast_in_dim3A_120, %gather3A_80 : vector<16xi1>, vector<16xf32>
      %broadcast_in_dim3A_122 = vector.broadcast %mul3A_62 : i32 to vector<16xi32>
      tpu.vector_store_idx %arg29[%broadcast_in_dim3A_122], %select_n3A masked %eq3A_2 : memref<160xf32, #tpu.memory_space<vmem>>[vector<16xi32>], vector<16xf32>, vector<16xi1>
      %broadcast_in_dim3A_123 = vector.broadcast %add3A_64 : i32 to vector<16xi32>
      tpu.vector_store_idx %arg29[%broadcast_in_dim3A_123], %select_n3A_121 masked %eq3A_2 : memref<160xf32, #tpu.memory_space<vmem>>[vector<16xi32>], vector<16xf32>, vector<16xi1>
    }
    %scan3A_44 = arith.constant 80 : i32
    %run_scoped3A = arith.constant 0 : i32
    "tpu.region"() ({
      %run_scoped3A_60 = tpu.sem_alloc : memref<!tpu.dma_semaphore, #tpu.memory_space<semaphore_mem>>
      %dma_start3A_61 = arith.constant 0 : i32
      %dma_start3A_62 = tpu.memref_slice %arg9[%add3A, %run_scoped3A, %dma_start3A_61] : memref<32x2x80xi32, #tpu.memory_space<hbm>> -> memref<1x1x80xi32, #tpu.memory_space<hbm>>
      %dma_start3A_63 = tpu.memref_squeeze %dma_start3A_62 : memref<1x1x80xi32, #tpu.memory_space<hbm>> -> memref<80xi32, #tpu.memory_space<hbm>>
      %dma_start3A_64 = arith.constant 0 : i32
      %dma_start3A_65 = tpu.memref_slice %arg9[%add3A, %run_scoped3A, %dma_start3A_64] : memref<32x2x80xi32, #tpu.memory_space<hbm>> -> memref<1x1x80xi32, #tpu.memory_space<hbm>>
      %dma_start3A_66 = tpu.memref_squeeze %dma_start3A_65 : memref<1x1x80xi32, #tpu.memory_space<hbm>> -> memref<80xi32, #tpu.memory_space<hbm>>
      tpu.enqueue_dma source(%dma_start3A_66 : memref<80xi32, #tpu.memory_space<hbm>>) target(%arg30 : memref<80xi32, #tpu.memory_space<vmem>>) target_semaphore(%run_scoped3A_60 : memref<!tpu.dma_semaphore, #tpu.memory_space<semaphore_mem>>)
      %dma_wait3A_67 = arith.constant 0 : i32
      %dma_wait3A_68 = tpu.memref_slice %arg9[%add3A, %run_scoped3A, %dma_wait3A_67] : memref<32x2x80xi32, #tpu.memory_space<hbm>> -> memref<1x1x80xi32, #tpu.memory_space<hbm>>
      %dma_wait3A_69 = tpu.memref_squeeze %dma_wait3A_68 : memref<1x1x80xi32, #tpu.memory_space<hbm>> -> memref<80xi32, #tpu.memory_space<hbm>>
      %dma_wait3A_70 = arith.constant 0 : i32
      %dma_wait3A_71 = tpu.memref_slice %arg9[%add3A, %run_scoped3A, %dma_wait3A_70] : memref<32x2x80xi32, #tpu.memory_space<hbm>> -> memref<1x1x80xi32, #tpu.memory_space<hbm>>
      %dma_wait3A_72 = tpu.memref_squeeze %dma_wait3A_71 : memref<1x1x80xi32, #tpu.memory_space<hbm>> -> memref<80xi32, #tpu.memory_space<hbm>>
      tpu.wait_dma2 semaphore(%run_scoped3A_60 : memref<!tpu.dma_semaphore, #tpu.memory_space<semaphore_mem>>) src(%dma_wait3A_72 : memref<80xi32, #tpu.memory_space<hbm>>) dst(%arg30 : memref<80xi32, #tpu.memory_space<vmem>>)
      tpu.yield
    }) : () -> ()
    %run_scoped3A_45 = arith.constant 1 : i32
    "tpu.region"() ({
      %run_scoped3A_60 = tpu.sem_alloc : memref<!tpu.dma_semaphore, #tpu.memory_space<semaphore_mem>>
      %dma_start3A_61 = arith.constant 0 : i32
      %dma_start3A_62 = tpu.memref_slice %arg9[%add3A, %run_scoped3A_45, %dma_start3A_61] : memref<32x2x80xi32, #tpu.memory_space<hbm>> -> memref<1x1x80xi32, #tpu.memory_space<hbm>>
      %dma_start3A_63 = tpu.memref_squeeze %dma_start3A_62 : memref<1x1x80xi32, #tpu.memory_space<hbm>> -> memref<80xi32, #tpu.memory_space<hbm>>
      %dma_start3A_64 = arith.constant 0 : i32
      %dma_start3A_65 = tpu.memref_slice %arg9[%add3A, %run_scoped3A_45, %dma_start3A_64] : memref<32x2x80xi32, #tpu.memory_space<hbm>> -> memref<1x1x80xi32, #tpu.memory_space<hbm>>
      %dma_start3A_66 = tpu.memref_squeeze %dma_start3A_65 : memref<1x1x80xi32, #tpu.memory_space<hbm>> -> memref<80xi32, #tpu.memory_space<hbm>>
      tpu.enqueue_dma source(%dma_start3A_66 : memref<80xi32, #tpu.memory_space<hbm>>) target(%arg31 : memref<80xi32, #tpu.memory_space<vmem>>) target_semaphore(%run_scoped3A_60 : memref<!tpu.dma_semaphore, #tpu.memory_space<semaphore_mem>>)
      %dma_wait3A_67 = arith.constant 0 : i32
      %dma_wait3A_68 = tpu.memref_slice %arg9[%add3A, %run_scoped3A_45, %dma_wait3A_67] : memref<32x2x80xi32, #tpu.memory_space<hbm>> -> memref<1x1x80xi32, #tpu.memory_space<hbm>>
      %dma_wait3A_69 = tpu.memref_squeeze %dma_wait3A_68 : memref<1x1x80xi32, #tpu.memory_space<hbm>> -> memref<80xi32, #tpu.memory_space<hbm>>
      %dma_wait3A_70 = arith.constant 0 : i32
      %dma_wait3A_71 = tpu.memref_slice %arg9[%add3A, %run_scoped3A_45, %dma_wait3A_70] : memref<32x2x80xi32, #tpu.memory_space<hbm>> -> memref<1x1x80xi32, #tpu.memory_space<hbm>>
      %dma_wait3A_72 = tpu.memref_squeeze %dma_wait3A_71 : memref<1x1x80xi32, #tpu.memory_space<hbm>> -> memref<80xi32, #tpu.memory_space<hbm>>
      tpu.wait_dma2 semaphore(%run_scoped3A_60 : memref<!tpu.dma_semaphore, #tpu.memory_space<semaphore_mem>>) src(%dma_wait3A_72 : memref<80xi32, #tpu.memory_space<hbm>>) dst(%arg31 : memref<80xi32, #tpu.memory_space<vmem>>)
      tpu.yield
    }) : () -> ()
    %dma_start3A = arith.constant 0 : i32
    %dma_start3A_46 = tpu.memref_slice %arg29[%dma_start3A] : memref<160xf32, #tpu.memory_space<vmem>> -> memref<80xf32, #tpu.memory_space<vmem>>
    %dma_start3A_47 = arith.constant 0 : i32
    %dma_start3A_48 = tpu.memref_slice %arg12[%dma_start3A_47] : memref<5120xf32, #tpu.memory_space<hbm>> -> memref<5120xf32, #tpu.memory_space<hbm>>
    tpu.enqueue_indirect_dma source(%dma_start3A_46 : memref<80xf32, #tpu.memory_space<vmem>>) target(%dma_start3A_48 : memref<5120xf32, #tpu.memory_space<hbm>>) offsets(%arg30 : memref<80xi32, #tpu.memory_space<vmem>>) semaphore(%arg32 : memref<!tpu.dma_semaphore, #tpu.memory_space<semaphore_mem>>)
    %dma_wait3A = arith.constant 0 : i32
    %dma_wait3A_49 = tpu.memref_slice %arg29[%dma_wait3A] : memref<160xf32, #tpu.memory_space<vmem>> -> memref<80xf32, #tpu.memory_space<vmem>>
    %dma_wait3A_50 = arith.constant 0 : i32
    %dma_wait3A_51 = tpu.memref_slice %arg12[%dma_wait3A_50] : memref<5120xf32, #tpu.memory_space<hbm>> -> memref<5120xf32, #tpu.memory_space<hbm>>
    tpu.wait_indirect_dma semaphore(%arg32 : memref<!tpu.dma_semaphore, #tpu.memory_space<semaphore_mem>>) src(%dma_wait3A_49 : memref<80xf32, #tpu.memory_space<vmem>>) dst(%dma_wait3A_51 : memref<5120xf32, #tpu.memory_space<hbm>>)
    %dma_start3A_52 = arith.constant 80 : i32
    %dma_start3A_53 = tpu.memref_slice %arg29[%dma_start3A_52] : memref<160xf32, #tpu.memory_space<vmem>> -> memref<80xf32, #tpu.memory_space<vmem>>
    %dma_start3A_54 = arith.constant 0 : i32
    %dma_start3A_55 = tpu.memref_slice %arg12[%dma_start3A_54] : memref<5120xf32, #tpu.memory_space<hbm>> -> memref<5120xf32, #tpu.memory_space<hbm>>
    tpu.enqueue_indirect_dma source(%dma_start3A_53 : memref<80xf32, #tpu.memory_space<vmem>>) target(%dma_start3A_55 : memref<5120xf32, #tpu.memory_space<hbm>>) offsets(%arg31 : memref<80xi32, #tpu.memory_space<vmem>>) semaphore(%arg32 : memref<!tpu.dma_semaphore, #tpu.memory_space<semaphore_mem>>)
    %dma_wait3A_56 = arith.constant 80 : i32
    %dma_wait3A_57 = tpu.memref_slice %arg29[%dma_wait3A_56] : memref<160xf32, #tpu.memory_space<vmem>> -> memref<80xf32, #tpu.memory_space<vmem>>
    %dma_wait3A_58 = arith.constant 0 : i32
    %dma_wait3A_59 = tpu.memref_slice %arg12[%dma_wait3A_58] : memref<5120xf32, #tpu.memory_space<hbm>> -> memref<5120xf32, #tpu.memory_space<hbm>>
    tpu.wait_indirect_dma semaphore(%arg32 : memref<!tpu.dma_semaphore, #tpu.memory_space<semaphore_mem>>) src(%dma_wait3A_57 : memref<80xf32, #tpu.memory_space<vmem>>) dst(%dma_wait3A_59 : memref<5120xf32, #tpu.memory_space<hbm>>)
    return
  }
}

</mosaic_0001>

<sc_bundles>
// kernel: kernel.3.cloned.1.call-start
scs
__scs_entry_jumppad:
0x0: {  	(pc) =	sbr.rel $0x88, $3  }
0x1: {  	(tag) =	ssettag $0x0;
	lr =	simm.s32 $0x1  }
0x2: {  	[smem:$0x3F9E] =	sst lr;
	_ =	strace $0xD0000000  }
0x3: {  	_ = 	snop  }
0x4: {  	_ = 	snop  }
0x5: {  	_ = 	snop  }
0x6: {  	_ = 	snop  }
0x7: {  	_ = 	snop  }
__scs_overlays_trampoline_lowered:
0x8: {  	[smem:$0x3FAD] =	sst s0  }
0x9: {  	[smem:$0x3FAE] =	sst s1  }
0xa: {  	[smem:$0x3FAF] =	sst s2  }
0xb: {  	[smem:$0x3FB0] =	sst s3  }
0xc: {  	[smem:$0x3FB1] =	sst s4  }
0xd: {  	[smem:$0x3FB2] =	sst s5  }
0xe: {  	[smem:$0x3FB3] =	sst s6  }
0xf: {  	[smem:$0x3FB4] =	sst s7  }
0x10: {  	[smem:$0x3FB5] =	sst s8  }
0x11: {  	[smem:$0x3FB6] =	sst s9;
	s0 =	simm.s32 @!p0 $0x0  }
0x12: {  	s1 =	sld [smem:$0x3F9C];
	s0 =	simm.s32 @p0 $0x1  }
0x13: {  	[smem:$0x3FB7] =	sst s0;
	s0 =	simm.s32 @!p1 $0x0  }
0x14: {  	s2 =	sld [smem:$0x3F9B];
	s0 =	simm.s32 @p1 $0x1  }
0x15: {  	[smem:$0x3FB8] =	sst s0;
	s0 =	simm.s32 @!p2 $0x0  }
0x16: {  	s3 =	sld [smem:$0x3FDB];
	s0 =	simm.s32 @p2 $0x1  }
0x17: {  	s4 =	simm.s32 $0x1BF5;
	[smem:$0x3FBA] =	sst s0  }
0x18: {  	s0 =	sld [smem:$0x3F9D];
	_ =	swait.ge [sflag:s4], $0x0  }
0x19: {  	s7 =	sld [smem:$0x3F9E]  }
0x1a: {  	s8 =	sadd.s32 $0xFFFFE003, lr  }
0x1b: {  	s9 =	sadd.s32 $0xFFFFFEF7, lr;
	s5 =	simm.s32 $0xFFFFFFFF;
	p2 =	slt.u32 s8, $0xFFFFF086  }
0x1c: {  	p1 =	slt.u32 s9, $0xF7A;
	s5 =	simm.s32 @!p2 $0x0  }
0x1d: {  	s5 =	simm.s32 @p1 $0x1;
	p0 =	seq.s32 s7, s2  }
0x1e: {  	s7 =	smul.u32 @!p0 $0xF7A, s2;
	p2 =	seq.s32 @!p0 s5, $0x0  }
0x1f: {  	s9 =	smul.u32 $0xF7A, s1;
	s8 =	simm.s32 @!p0 $0x1BF5;
	p2 =	por !p2, p0  }
0x20: {  	[sflag:s8] =	ssyncset.s32 @!p0 $0xFFFFF086;
	s6 =	sadd.s32 @!p0 s3, s7;
	s7 =	simm.s32 @!p0 $0x108  }
0x21: {  	s3 =	sadd.s32 s3, s9;
	s6 =	sadd.s32 @!p0 $0x88, s6;
	s7 =	simm.s32 @p2 $0x1082  }
0x22: {  	[simem:s7], [sflag:s8] =	dma.local @!p0 [hbm:s6], $0xF7A  }
0x23: {  	s9 =	sor.u32 $0xD0000000, s2;
	s6 =	simm.s32 $0x108;
	_ =	swait.ge @!p0 [sflag:s8], $0x0  }
0x24: {  	s3 =	sadd.s32 $0x88, s3;
	s6 =	simm.s32 @!p1 $0x1082;
	[sflag:s4] =	ssyncset.s32 $0xFFFFF086  }
0x25: {  	[simem:s6], [sflag:s4] =	dma.local [hbm:s3], $0xF7A  }
0x26: {  	[smem:$0x3F9E] =	sst s1;
	(tag) =	ssettag s2;
	_ =	strace s9  }
0x27: {  	s1 =	sld [smem:$0x3FAE]  }
0x28: {  	s2 =	sld [smem:$0x3FAF]  }
0x29: {  	s4 =	sld [smem:$0x3FB1]  }
0x2a: {  	p0 =	seq.s32 s5, $0x0;
	s5 =	sld [smem:$0x3FB2]  }
0x2b: {  	s6 =	sld [smem:$0x3FB3]  }
0x2c: {  	s7 =	sld [smem:$0x3FB4]  }
0x2d: {  	s3 =	simm.s32 $0x108;
	s8 =	sld [smem:$0x3FB5]  }
0x2e: {  	s3 =	simm.s32 @!p0 $0x1082;
	s9 =	sld [smem:$0x3FB6]  }
0x2f: {  	lr =	sadd.s32 s0, s3;
	s0 =	sld [smem:$0x3FAD]  }
0x30: {  	s3 =	sld [smem:$0x3FB0]  }
0x31: {  	[smem:$0x3FB9] =	sst s10  }
0x32: {  	s10 =	sld [smem:$0x3FB7];
	_ =	sdelay $0x3  }
0x33: {  	p0 =	seq.s32 s10, $0x1;
	s10 =	sld [smem:$0x3FB9];
	_ =	sdelay $0x3  }
0x34: {  	[smem:$0x3FB9] =	sst s10  }
0x35: {  	s10 =	sld [smem:$0x3FB8];
	_ =	sdelay $0x3  }
0x36: {  	p1 =	seq.s32 s10, $0x1;
	s10 =	sld [smem:$0x3FB9];
	_ =	sdelay $0x3  }
0x37: {  	[smem:$0x3FB9] =	sst s10  }
0x38: {  	s10 =	sld [smem:$0x3FBA]  }
0x39: {  	_ = 	snop;
	(pc) =	sbr.ind lr, $3  }
0x3a: {  	_ = 	snop  }
0x3b: {  	_ = 	snop  }
0x3c: {  	p2 =	seq.s32 s10, $0x1;
	s10 =	sld [smem:$0x3FB9]  }
0x3d: {  	_ =	shalt  }
0x3e: {  	_ =	shalt  }
0x3f: {  	_ =	shalt  }
0x40: {  	_ =	shalt  }
0x41: {  	_ =	shalt  }
0x42: {  	_ =	shalt  }
0x43: {  	_ =	shalt  }
0x44: {  	_ =	shalt  }
0x45: {  	_ =	shalt  }
0x46: {  	_ =	shalt  }
0x47: {  	_ =	shalt  }
0x48: {  	_ =	shalt  }
0x49: {  	_ =	shalt  }
0x4a: {  	_ =	shalt  }
0x4b: {  	_ =	shalt  }
0x4c: {  	_ =	shalt  }
0x4d: {  	_ =	shalt  }
0x4e: {  	_ =	shalt  }
0x4f: {  	_ =	shalt  }
0x50: {  	_ =	shalt  }
0x51: {  	_ =	shalt  }
0x52: {  	_ =	shalt  }
0x53: {  	_ =	shalt  }
0x54: {  	_ =	shalt  }
0x55: {  	_ =	shalt  }
0x56: {  	_ =	shalt  }
0x57: {  	_ =	shalt  }
0x58: {  	_ =	shalt  }
0x59: {  	_ =	shalt  }
0x5a: {  	_ =	shalt  }
0x5b: {  	_ =	shalt  }
0x5c: {  	_ =	shalt  }
0x5d: {  	_ =	shalt  }
0x5e: {  	_ =	shalt  }
0x5f: {  	_ =	shalt  }
0x60: {  	_ =	shalt  }
0x61: {  	_ =	shalt  }
0x62: {  	_ =	shalt  }
0x63: {  	_ =	shalt  }
0x64: {  	_ =	shalt  }
0x65: {  	_ =	shalt  }
0x66: {  	_ =	shalt  }
0x67: {  	_ =	shalt  }
0x68: {  	_ =	shalt  }
0x69: {  	_ =	shalt  }
0x6a: {  	_ =	shalt  }
0x6b: {  	_ =	shalt  }
0x6c: {  	_ =	shalt  }
0x6d: {  	_ =	shalt  }
0x6e: {  	_ =	shalt  }
0x6f: {  	_ =	shalt  }
0x70: {  	_ =	shalt  }
0x71: {  	_ =	shalt  }
0x72: {  	_ =	shalt  }
0x73: {  	_ =	shalt  }
0x74: {  	_ =	shalt  }
0x75: {  	_ =	shalt  }
0x76: {  	_ =	shalt  }
0x77: {  	_ =	shalt  }
0x78: {  	_ =	shalt  }
0x79: {  	_ =	shalt  }
0x7a: {  	_ =	shalt  }
0x7b: {  	_ =	shalt  }
0x7c: {  	_ =	shalt  }
0x7d: {  	_ =	shalt  }
0x7e: {  	_ =	shalt  }
0x7f: {  	_ =	shalt  }
0x80: {  	_ =	shalt  }
0x81: {  	_ =	shalt  }
0x82: {  	_ =	shalt  }
0x83: {  	_ =	shalt  }
0x84: {  	_ =	shalt  }
0x85: {  	_ =	shalt  }
0x86: {  	_ =	shalt  }
0x87: {  	_ =	shalt  }
.Lfunc_end0:
.L_simem_size_0:
called_computation_lowered:
.L_overlay_start_0:
0x88: {  	s2 =	sld [smem:$0x3FD9]  }
0x89: {  	s3 =	sld [smem:$0x3FFE];
	_ =	sdelay $0x1  }
0x8a: {  	s1 =	srdreg.scid  }
0x8b: {  	s0 =	sand.u32 $0x1, s1  }
0x8c: {  	s17 =	sshll.u32 s0, $0xA;
	s2 =	sadd.s32 s3, s2  }
0x8d: {  	s2 =	sadd.s32 s2, s17  }
0x8e: {  	[smem:$0x3FC5] =	sst s2  }
0x8f: {  	_ = 	snop  }
0x90: {  	s2 =	sld [smem:$0x3FD0];
	(tm) =	ssettm $0x1  }
0x91: {  	s18 =	sld [smem:$0x3FFB];
	_ =	sdelay $0x3  }
0x92: {  	_ =	strace s18  }
0x93: {  	s3 =	sld [smem:$0x3FFC];
	_ =	sdelay $0x3  }
0x94: {  	_ =	strace s3  }
0x95: {  	s3 =	sld [smem:$0x3FFD];
	_ =	sdelay $0x3  }
0x96: {  	_ =	strace s3  }
0x97: {  	_ =	strace $0x8FFFFFFF  }
0x98: {  	s19 =	sld [smem:$0x3FDB];
	_ =	sdelay $0x1  }
0x99: {  	s4 =	simm.s32 $_scs_section_size  }
0x9a: {  	s5 =	simm.s32 $_size__tile_overlayer_lowered;
	s6 =	simm.s32 $_tile_overlayer_lowered  }
0x9b: {  	s22 =	simm.s32 $0x1BFF;
	s21 =	sshll.u32 s6, $0x1;
	s3 =	sadd.s32 s4, s19  }
0x9c: {  	s7 =	simm.s32 $0x0;
	s20 =	sshll.u32 s5, $0x1;
	s5 =	sadd.s32 s21, s3  }
0x9d: {  	[timem:s7], [sflag:s22] =	dma.local [hbm:s5], s20  }
0x9e: {  	_ =	swait.ge [sflag:s22], s20  }
0x9f: {  	s4 =	ssub.s32 $0x0, s20;
	[sflag:s22] =	ssyncset.done $0x0  }
0xa0: {  	[sflag:s22] =	ssyncadd.s32 s4;
	_ =	sdelay $0x1  }
0xa1: {  	s23 =	simm.s32 $0x1B8B  }
0xa2: {  	_ =	swait.ge [sflag:s23], $0x1  }
0xa3: {  	[sflag:s23] =	ssyncset.done $0x0  }
0xa4: {  	s25 =	simm.s32 $0x1B8E;
	s24 =	sld [smem:$0x3FFE];
	[sflag:s23] =	ssyncadd.s32 $0xFFFFFFFF  }
0xa5: {  	s26 =	simm.s32 $execute0_lowered;
	[smem:$0x3FD2] =	sst s25  }
0xa6: {  	s5 =	sshll.u32 s26, $0x1;
	_ =	strace $0x80000046;
	[dreg:$0x1] =	wrdreg $0xFFFFFFFF  }
0xa7: {  	s28 =	simm.s32 $_size_execute0_lowered;
	s3 =	sadd.s32 s3, s5;
	[dreg:$0x0] =	wrdreg $0x0  }
0xa8: {  	s5 =	sshll.u32 s28, $0x1;
	[dreg:$0x2] =	wrdreg s3  }
0xa9: {  	[dreg:$0x3] =	wrdreg s5  }
0xaa: {  	[dreg:$0x4] =	wrdreg $0xC0  }
0xab: {  	_ =	task [dreg:s7], $0x5FFFF  }
0xac: {  	[dreg:$0x1] =	wrdreg $0xFFFFFFFF  }
0xad: {  	[dreg:$0x0] =	wrdreg $0x60  }
0xae: {  	[dreg:$0x2] =	wrdreg s24  }
0xaf: {  	[dreg:$0x3] =	wrdreg s2  }
0xb0: {  	[dreg:$0x4] =	wrdreg $0x9  }
0xb1: {  	_ =	task.clear_ibuf [dreg:s7], $0x5FFFF;
	_ =	strace $0x90000046  }
0xb2: {  	s29 =	simm.s32 $0x9;
	_ =	strace $0x80000048  }
0xb3: {  	_ =	swait.ge [sflag:s29], $0x1  }
0xb4: {  	[sflag:s29] =	ssyncadd.s32 $0xFFFFFFFF  }
0xb5: {  	_ =	strace $0x90000048  }
0xb6: {  	_ =	sfence  }
0xb7: {  	s30 =	sld [smem:$0x0];
	_ =	sdelay $0x2  }
0xb8: {  	s31 =	sshll.u32 s1, $0xD;
	s1 =	sshrl.u32 s1, $0x2  }
0xb9: {  	s3 =	sand.u32 $0x4000, s31;
	s1 =	sadd.s32 s1, s30  }
0xba: {  	s0 =	sor.u32 s3, s0;
	s1 =	sshll.u32 s1, $0x11  }
0xbb: {  	s0 =	sor.u32 s1, s0  }
0xbc: {  	s0 =	sadd.s32 $0x8F2B, s0  }
0xbd: {  	[sflag:s0] =	ssyncadd.remote.s32 $0x1  }
0xbe: {  	_ =	sfence.sel $0xFFFF  }
0xbf: {  	[dreg:$0x0] =	wrdreg $0xFFFFFFFF;
	(pc) =	sbr.abs _section_cstart, $3  }
0xc0: {  	[dreg:$0x1] =	wrdreg $0xFFFFFFFF  }
0xc1: {  	_ =	task.clear_ibuf [dreg:s7], $0x2FFFF;
	_ =	strace $0x9FFFFFFF  }
0xc2: {  	(tm) =	ssettm $0x7FFFFFFF  }
0xc3: {  	_ =	shalt  }
tec
execute0_lowered:
.L_overlay_start_1:
0x0: {  	(tag) =	ssettag $0x1  }
0x1: {  	s4 =	rddreg [dreg:$0x0];
	s3 =	simm.s32 $0x0  }
0x2: {  	s23 =	srdreg.scid;
	[smem:$0x7FF] =	sst s3;
	s0 =	sadd.s32 $0x1600, s4  }
0x3: {  	s21 =	sadd.s32 $0x1200, s4;
	_ =	strace $0x80000047;
	[dreg:$0x3] =	wrdreg s0  }
0x4: {  	s1 =	stileid.u32;
	s22 =	sadd.s32 $0x600, s4;
	[dreg:$0x4] =	wrdreg s21  }
0x5: {  	s19 =	simm.s32 $0x2;
	s2 =	sadd.s32 $0xE00, s4;
	[dreg:$0x5] =	wrdreg s22  }
0x6: {  	s20 =	simm.s32 $0x1400;
	s24 =	sadd.s32 $0xA00, s4;
	[dreg:$0x6] =	wrdreg s2  }
0x7: {  	s1 =	sshll.u32 s1, $0x1;
	s25 =	sadd.s32 $0x2200, s4;
	[dreg:$0x7] =	wrdreg s24  }
0x8: {  	s26 =	sadd.s32 $0x1A00, s4;
	s0 =	sand.u32 $0x1, s23;
	[dreg:$0x8] =	wrdreg s25  }
0x9: {  	[dreg:$0x9] =	wrdreg s26;
	s21 =	simm.s32 $0x2800;
	s22 =	simm.s32 $0x3C00  }
0xa: {  	s23 =	simm.s32 $0x5000;
	s24 =	simm.s32 $0x6400;
	s5 =	sor.u32 s0, s1  }
0xb: {  	s25 =	simm.s32 $0xF000;
	s0 =	ssub.s32 $0x2, s0;
	s28 =	sshll.u32 s5, $0x5  }
0xc: {  	s6 =	smul.u32 $0xA, s5;
	s1 =	sadd.s32 s28, s4;
	s4 =	sadd.s32 $0x200, s4  }
0xd: {  	s2 =	simm.s32 $0x11900;
	s29 =	sshrl.u32 s0, $0x1;
	[dreg:$0xb] =	wrdreg s4  }
.Ltmp0:
0xe: {  	[dreg:$0xa] =	wrdreg s6;
	s30 =	sadd.s32 $0xA, s6;
	(pc) =	sbr.rel .LBB2_1-.Ltmp0, $4  }
0xf: {  	s14 =	smul.u32 $0xA0, s5;
	s31 =	sadd.s32 $0x1E00, s1;
	[dreg:$0xc] =	wrdreg s30  }
0x10: {  	s0 =	ssub.s32 s0, s29;
	s1 =	sadd.s32 $0x1E10, s1;
	[dreg:$0xd] =	wrdreg s31  }
0x11: {  	s0 =	smax.u32 s0, $0x1;
	s4 =	simm.s32 $0xDC00;
	[dreg:$0xe] =	wrdreg s1  }
0x12: {  	vm0 =	vmxor vm0, vm0;
	v1 =	vimm.f32 $0.0e+00;
	v0 =	vmov s5;
	s6 =	simm.s32 $0x0;
	[dreg:$0xf] =	wrdreg s0;
	s1 =	simm.s32 $0x10400  }
.LBB2_14:
0x13: {  	s0 =	rddreg [dreg:$0xd];
	s5 =	simm.s32 $0x11A00  }
0x14: {  	[tilespmem:s5], [sflag:$0x2] =	stream.linear.gather [hbm4b:s0+s3], $0x80, $0x38;
	[tilespmem:$0x11B00] =	vst v63  }
0x15: {  	_ =	swait.ge [sflag:s19], $0x80  }
0x16: {  	[sflag:s19] =	ssyncset.done $0x0  }
0x17: {  	s6 =	simm.s32 $0x11A80;
	s26 =	rddreg [dreg:$0xe];
	[sflag:s19] =	ssyncadd.s32 $0xFFFFFF80  }
0x18: {  	[tilespmem:s6], [sflag:$0x2] =	stream.linear.gather [hbm4b:s26+s3], $0x80, $0x38;
	[tilespmem:$0x11B00] =	vst v63  }
0x19: {  	_ =	swait.ge [sflag:s19], $0x80  }
0x1a: {  	[sflag:s19] =	ssyncset.done $0x0  }
0x1b: {  	[sflag:s19] =	ssyncadd.s32 $0xFFFFFF80  }
0x1c: {  	s7 =	simm.s32 $0x50;
	s29 =	simm.s32 $0x1;
	s28 =	rddreg [dreg:$0x1]  }
0x1d: {  	[hbm4b:s28+s7] =	stream.indirect.scatter [tilespmem:s2], [sflag:$0x1], $0x1, s5, s7, $0xb8;
	[tilespmem:$0x11B00] =	vst v63  }
0x1e: {  	_ =	swait.ge [sflag:s29], $0x50  }
0x1f: {  	[sflag:s29] =	ssyncset.done $0x0  }
0x20: {  	s8 =	simm.s32 $0x11950;
	[sflag:s29] =	ssyncadd.s32 $0xFFFFFFB0  }
0x21: {  	[hbm4b:s28+s7] =	stream.indirect.scatter [tilespmem:s8], [sflag:$0x1], $0x1, s6, s7, $0xb8;
	[tilespmem:$0x11B00] =	vst v63  }
0x22: {  	_ =	swait.ge [sflag:s29], $0x50  }
0x23: {  	s30 =	rddreg [dreg:$0x10]  }
0x24: {  	s31 =	rddreg [dreg:$0xf];
	s6 =	sadd.s32 $0x1, s30  }
0x25: {  	p0 =	sne.s32 s6, s31  }
.Ltmp1:
0x26: {  	_ = 	snop;
	(pc) =	sbr.rel @!p0 .LBB2_15-.Ltmp1, $3  }
0x27: {  	_ =	sdelay $0x1  }
0x28: {  	[sflag:s29] =	ssyncset.done $0x0  }
0x29: {  	[sflag:s29] =	ssyncadd.s32 $0xFFFFFFB0  }
.LBB2_1:
0x2a: {  	[dreg:$0x10] =	wrdreg s6  }
0x2b: {  	s0 =	rddreg [dreg:$0x3]  }
0x2c: {  	[tilespmem:s3], [sflag:$0x2] =	stream.linear.gather [hbm4b:s0+s3], $0x1400, $0x38;
	[tilespmem:$0x11B00] =	vst v63  }
0x2d: {  	_ =	swait.ge [sflag:s19], $0x1400  }
0x2e: {  	[sflag:s19] =	ssyncset.done $0x0  }
0x2f: {  	s11 =	rddreg [dreg:$0x4];
	[sflag:s19] =	ssyncadd.s32 $0xFFFFEC00  }
0x30: {  	[tilespmem:s20], [sflag:$0x2] =	stream.linear.gather [hbm4b:s11+s3], $0x1400, $0x38;
	[tilespmem:$0x11B00] =	vst v63  }
0x31: {  	_ =	swait.ge [sflag:s19], $0x1400  }
0x32: {  	[sflag:s19] =	ssyncset.done $0x0  }
0x33: {  	s12 =	rddreg [dreg:$0x5];
	[sflag:s19] =	ssyncadd.s32 $0xFFFFEC00  }
0x34: {  	[tilespmem:s21], [sflag:$0x2] =	stream.linear.gather [hbm4b:s12+s3], $0x1400, $0x38;
	[tilespmem:$0x11B00] =	vst v63  }
0x35: {  	_ =	swait.ge [sflag:s19], $0x1400  }
0x36: {  	[sflag:s19] =	ssyncset.done $0x0  }
0x37: {  	s13 =	rddreg [dreg:$0x6];
	[sflag:s19] =	ssyncadd.s32 $0xFFFFEC00  }
0x38: {  	[tilespmem:s22], [sflag:$0x2] =	stream.linear.gather [hbm4b:s13+s3], $0x1400, $0x38;
	[tilespmem:$0x11B00] =	vst v63  }
0x39: {  	_ =	swait.ge [sflag:s19], $0x1400  }
0x3a: {  	[sflag:s19] =	ssyncset.done $0x0  }
0x3b: {  	s15 =	rddreg [dreg:$0x7];
	[sflag:s19] =	ssyncadd.s32 $0xFFFFEC00  }
0x3c: {  	[tilespmem:s23], [sflag:$0x2] =	stream.linear.gather [hbm4b:s15+s3], $0x1400, $0x38;
	[tilespmem:$0x11B00] =	vst v63  }
0x3d: {  	_ =	swait.ge [sflag:s19], $0x1400  }
0x3e: {  	[sflag:s19] =	ssyncset.done $0x0  }
0x3f: {  	s16 =	rddreg [dreg:$0x8];
	[sflag:s19] =	ssyncadd.s32 $0xFFFFEC00  }
0x40: {  	[tilespmem:s24], [sflag:$0x2] =	stream.linear.gather [hbm4b:s16+s3], $0x1400, $0x38;
	[tilespmem:$0x11B00] =	vst v63  }
0x41: {  	_ =	swait.ge [sflag:s19], $0x1400  }
0x42: {  	[sflag:s19] =	ssyncset.done $0x0  }
0x43: {  	s5 =	simm.s32 $0x7800;
	s17 =	rddreg [dreg:$0x9];
	[sflag:s19] =	ssyncadd.s32 $0xFFFFEC00  }
0x44: {  	[tilespmem:s5], [sflag:$0x2] =	stream.linear.gather [hbm4b:s17+s3], $0x1400, $0x38;
	[tilespmem:$0x11B00] =	vst v63  }
0x45: {  	_ =	swait.ge [sflag:s19], $0x1400  }
0x46: {  	[sflag:s19] =	ssyncset.done $0x0  }
0x47: {  	s26 =	simm.s32 $0x11800;
	s18 =	rddreg [dreg:$0xb];
	[sflag:s19] =	ssyncadd.s32 $0xFFFFEC00  }
0x48: {  	[tilespmem:s26], [sflag:$0x2] =	stream.linear.gather [hbm4b:s18+s3], $0x80, $0x38;
	[tilespmem:$0x11B00] =	vst v63  }
0x49: {  	_ =	swait.ge [sflag:s19], $0x80  }
0x4a: {  	[sflag:s19] =	ssyncset.done $0x0  }
0x4b: {  	[sflag:s19] =	ssyncadd.s32 $0xFFFFFF80  }
0x4c: {  	s29 =	simm.s32 $0x11880;
	s28 =	rddreg [dreg:$0x0]  }
0x4d: {  	[tilespmem:s29], [sflag:$0x2] =	stream.linear.gather [hbm4b:s28+s3], $0x80, $0x38;
	[tilespmem:$0x11B00] =	vst v63  }
0x4e: {  	_ =	swait.ge [sflag:s19], $0x80  }
0x4f: {  	[sflag:s19] =	ssyncset.done $0x0  }
0x50: {  	[sflag:s19] =	ssyncadd.s32 $0xFFFFFF80  }
0x51: {  	v2 =	vld.idx.msk [tilespmem:v0+s26+$0x0], $0xffff  }
0x52: {  	v3 =	vld.idx.msk [tilespmem:v0+s29+$0x0], $0xffff;
	_ =	sdelay $0x3  }
0x53: {  	v2 =	vxor.u32 $0x80000000, v2  }
0x54: {  	(xrf0) =	vmax.scan.msk.u32 $0xffff, v2;
	v2 =	vxor.u32 $0x80000000, v3  }
0x55: {  	(xrf0) =	vmax.scan.msk.u32 $0xffff, v2;
	_ =	sdelay $0x4  }
0x56: {  	v2, _, _ =	vpop (xrf0)  }
0x57: {  	(v2sf) =	vpush v2, $0xF;
	v2, _, _ =	vpop (xrf0)  }
0x58: {  	(v2sf) =	vpush v2, $0xF;
	_ =	sdelay $0xd  }
0x59: {  	s30 =	spop (v2sf)  }
0x5a: {  	s31 =	spop (v2sf);
	s0 =	sshra.s32 s30, $0x4  }
0x5b: {  	s5 =	sadd.s32 $0x8000000F, s31;
	s6 =	sxor.u32 $0xF8000000, s0;
	s0 =	rddreg [dreg:$0xc]  }
0x5c: {  	s7 =	sshra.s32 s5, $0x4;
	s5 =	rddreg [dreg:$0xa]  }
0x5d: {  	p0 =	slt.s32 s6, s5;
	p1 =	sgt.s32 s7, s0  }
0x5e: {  	s5 =	smov.u32 @p0 s6;
	s0 =	smov.u32 @p1 s7  }
0x5f: {  	p0 =	sle.s32 s0, s5  }
.Ltmp2:
0x60: {  	_ = 	snop;
	(pc) =	sbr.rel @p0 .LBB2_5-.Ltmp2, $1  }
0x61: {  	_ =	sdelay $0x3  }
0x62: {  	s9 =	sshll.u32 s5, $0x6  }
0x63: {  	s16 =	sshra.s32 s9, $0x2  }
0x64: {  	v2 =	vmov s16;
	_ =	sdelay $0x3  }
0x65: {  	s0 =	ssub.s32 s0, s5;
	s5 =	simm.s32 $0x7800  }
0x66: {  	v3 =	vld.idx.msk [tilespmem:v2+s5+$0x0 ss:$0x1], $0xffff;
	_ =	sdelay $0x7  }
0x67: {  	v4 =	vld.idx.msk [tilespmem:v3+s3+$0x0], $0xffff  }
0x68: {  	v5 =	vld.idx.msk [tilespmem:v3+s20+$0x0], $0xffff  }
0x69: {  	v6 =	vld.idx.msk [tilespmem:v3+s21+$0x0], $0xffff  }
0x6a: {  	v7 =	vld.idx.msk [tilespmem:v3+s22+$0x0], $0xffff  }
0x6b: {  	s10 =	simm.s32 $0x8C00  }
0x6c: {  	s8 =	simm.s32 $0xA000;
	[tilespmem:v2+s10+$0x0 ss:$0x1] =	vst.idx.msk $0xffff, v4  }
0x6d: {  	s15 =	simm.s32 $0xB400;
	[tilespmem:v2+s8+$0x0 ss:$0x1] =	vst.idx.msk $0xffff, v5  }
0x6e: {  	s12 =	simm.s32 $0xC800;
	[tilespmem:v2+s15+$0x0 ss:$0x1] =	vst.idx.msk $0xffff, v6  }
0x6f: {  	[tilespmem:v2+s12+$0x0 ss:$0x1] =	vst.idx.msk $0xffff, v7  }
0x70: {  	v8 =	vld.idx.msk [tilespmem:v3+s23+$0x0], $0xffff;
	_ =	sdelay $0x3  }
0x71: {  	s11 =	simm.s32 $0xDC00  }
0x72: {  	[tilespmem:v2+s11+$0x0 ss:$0x1] =	vst.idx.msk $0xffff, v8  }
0x73: {  	v8 =	vld.idx.msk [tilespmem:v3+s24+$0x0], $0xffff;
	_ =	sdelay $0x1  }
0x74: {  	p0 =	seq.s32 s0, $0x1  }
.Ltmp3:
0x75: {  	_ = 	snop;
	(pc) =	sbr.rel @p0 .LBB2_4-.Ltmp3, $4  }
0x76: {  	v4 =	vsub.f32 v6, v4;
	v5 =	vsub.f32 v7, v5  }
0x77: {  	s13 =	simm.s32 $0xF000;
	s9 =	simm.s32 $0x10400;
	v3 =	vshll.u32 v3, $0x3;
	v63 =	vand.u32 $0x7, v8  }
0x78: {  	s0 =	sadd.s32 $0xFFFFFFFF, s0;
	s16 =	simm.s32 $0xDC10;
	s15 =	simm.s32 $0xC810;
	v6 =	vor.u32 v3, v63;
	v3 =	vmul.f32 v5, v4  }
0x79: {  	s12 =	simm.s32 $0x10410;
	s11 =	simm.s32 $0xF010;
	[tilespmem:v2+s13+$0x0 ss:$0x1] =	vst.idx.msk $0xffff, v6;
	s13 =	simm.s32 $0xB410  }
.LBB2_3:
0x7a: {  	[tilespmem:v2+s9+$0x0 ss:$0x1] =	vst.idx.msk $0xffff, v3;
	s5 =	sadd.s32 $0x10, s5;
	s10 =	sadd.s32 $0x10, s10;
	s8 =	sadd.s32 $0x10, s8  }
0x7b: {  	p0 =	seq.s32 s0, $0x1;
	s0 =	sadd.s32 $0xFFFFFFFF, s0;
	s17 =	smov.u32 s11;
	v3 =	vld.idx.msk [tilespmem:v2+s5+$0x0 ss:$0x1], $0xffff  }
0x7c: {  	s9 =	smov.u32 s12;
	_ =	sdelay $0x6  }
0x7d: {  	v4 =	vld.idx.msk [tilespmem:v3+s3+$0x0], $0xffff  }
0x7e: {  	v5 =	vld.idx.msk [tilespmem:v3+s20+$0x0], $0xffff  }
0x7f: {  	v6 =	vld.idx.msk [tilespmem:v3+s21+$0x0], $0xffff  }
0x80: {  	v7 =	vld.idx.msk [tilespmem:v3+s22+$0x0], $0xffff;
	_ =	sdelay $0x2  }
0x81: {  	[tilespmem:v2+s10+$0x0 ss:$0x1] =	vst.idx.msk $0xffff, v4  }
0x82: {  	[tilespmem:v2+s8+$0x0 ss:$0x1] =	vst.idx.msk $0xffff, v5  }
0x83: {  	v4 =	vsub.f32 v6, v4;
	[tilespmem:v2+s13+$0x0 ss:$0x1] =	vst.idx.msk $0xffff, v6  }
0x84: {  	v5 =	vsub.f32 v7, v5;
	[tilespmem:v2+s15+$0x0 ss:$0x1] =	vst.idx.msk $0xffff, v7  }
0x85: {  	v6 =	vld.idx.msk [tilespmem:v3+s23+$0x0], $0xffff;
	_ =	sdelay $0x5  }
0x86: {  	[tilespmem:v2+s16+$0x0 ss:$0x1] =	vst.idx.msk $0xffff, v6  }
0x87: {  	v6 =	vld.idx.msk [tilespmem:v3+s24+$0x0], $0xffff;
	_ =	sdelay $0x3  }
.Ltmp4:
0x88: {  	(pc) =	sbr.rel @!p0 .LBB2_3-.Ltmp4, $4  }
0x89: {  	_ = 	snop  }
0x8a: {  	v3 =	vshll.u32 v3, $0x3;
	v6 =	vand.u32 $0x7, v6  }
0x8b: {  	s11 =	sadd.s32 $0x10, s11;
	s12 =	sadd.s32 $0x10, s12;
	v6 =	vor.u32 v3, v6;
	v3 =	vmul.f32 v5, v4  }
0x8c: {  	s13 =	sadd.s32 $0x10, s13;
	s15 =	sadd.s32 $0x10, s15;
	s16 =	sadd.s32 $0x10, s16;
	[tilespmem:v2+s17+$0x0 ss:$0x1] =	vst.idx.msk $0xffff, v6  }
.LBB2_4:
0x8d: {  	_ =	sdelay $0x3  }
0x8e: {  	[tilespmem:v2+s9+$0x0 ss:$0x1] =	vst.idx.msk $0xffff, v3  }
.LBB2_5:
.Ltmp5:
0x8f: {  	s0 =	sshll.u32 s6, $0x6;
	(pc) =	sbr.rel .LBB2_6-.Ltmp5, $4  }
0x90: {  	s10 =	ssub.s32 s7, s6;
	s0 =	sshra.s32 s0, $0x2  }
0x91: {  	s5 =	simm.s32 $0x0;
	p0 =	sle.s32 s7, s6;
	s11 =	sadd.s32 $0x8C00, s0  }
0x92: {  	s13 =	sadd.s32 $0xA000, s0;
	s16 =	sadd.s32 $0xB400, s0;
	s17 =	sadd.s32 $0xC800, s0  }
0x93: {  	s8 =	sadd.s32 $0xDC00, s0;
	s15 =	sadd.s32 $0xF000, s0;
	s9 =	sadd.s32 $0x10400, s0  }
.LBB2_8:
0x94: {  	s28 =	smov.u32 s9;
	s26 =	smov.u32 s8;
	s18 =	smov.u32 s15;
	vm2 =	vmmov vm0;
	vm1 =	vmmov vm0  }
.LBB2_12:
0x95: {  	v22 =	vand.u32 @p1 $0x7, v22  }
0x96: {  	vm4 =	vgt.f32 @p1 v16, v3;
	vm5 =	vgt.s32 @p1 v19, v4;
	v15 =	vmax.f32 v15, v17  }
0x97: {  	vm6 =	vgt.f32 @p1 v24, v23;
	s0 =	sadd.s32 @p1 $0x10, s28;
	s12 =	smov.u32 s9;
	v14 =	vmax.f32 v14, v18;
	v12 =	vmin.f32 v12, v21  }
0x98: {  	v13 =	vmin.f32 v13, v21;
	v10 =	vmax.f32 v10, v17;
	v11 =	vmin.f32 v11, v20;
	s12 =	smov.u32 @p1 s0;
	s0 =	sadd.s32 @p1 $0x10, s26;
	s26 =	smov.u32 s8  }
0x99: {  	v9 =	vmax.f32 v9, v18;
	v8 =	vmin.f32 v8, v20;
	vm7 =	veq.s32 @p1 v22, $0x0;
	v59 =	vld [tilespmem:s12+$0x0];
	s26 =	smov.u32 @p1 s0  }
0x9a: {  	vm3 =	vmand @p1 vm3, vm5;
	v10 =	vsub.f32 v13, v10;
	v9 =	vsub.f32 v11, v9;
	s0 =	sadd.s32 @p1 $0x10, s18;
	s12 =	smov.u32 s15;
	v60 =	vld [tilespmem:s26+$0x0]  }
0x9b: {  	v62 =	vsub.f32 v12, v15;
	vm5 =	vmand @p1 vm7, vm6;
	vm3 =	vmor @p1 vm4, vm3;
	s12 =	smov.u32 @p1 s0  }
0x9c: {  	v8 =	vsub.f32 v8, v14;
	vm7 =	vmmov vm0;
	vm3 =	vmand @p1 vm3, vm5;
	v61 =	vld [tilespmem:s12+$0x0]  }
0x9d: {  	v10 =	vmax.f32 v10, $0.0e+00;
	v9 =	vmax.f32 v9, $0.0e+00;
	v11 =	vmax.f32 v62, $0.0e+00  }
0x9e: {  	v8 =	vmax.f32 v8, $0.0e+00;
	v9 =	vmul.f32 v9, v10;
	v7 =	vadd.f32 v59, v7  }
0x9f: {  	vm2 =	vmor @p1 vm2, vm3;
	v6 =	vadd.f32 v59, v6;
	vm3 =	vgt.f32 v60, v2  }
0xa0: {  	vm13 =	veq.f32 v60, v2;
	vm12 =	veq.f32 v60, v3;
	v7 =	vsub.f32 v7, v9  }
0xa1: {  	v9 =	vadd.f32 v9, v9;
	v63 =	vxor.u32 v5, v61;
	vm14 =	vgt.s32 v61, v5  }
0xa2: {  	v5 =	vmul.f32 v8, v11;
	vm8 =	vgt.s32 v61, v4;
	v10 =	vand.u32 $0x7, v63  }
0xa3: {  	vm4 =	vmand vm13, vm14;
	vm13 =	vgt.f32 v60, v3;
	vm6 =	vgt.f32 v9, v7  }
0xa4: {  	v7 =	vxor.u32 v4, v61;
	v6 =	vsub.f32 v6, v5;
	v5 =	vadd.f32 v5, v5  }
0xa5: {  	vm15 =	veq.s32 v10, $0x0;
	vm3 =	vmor vm3, vm4;
	v7 =	vand.u32 $0x7, v7  }
0xa6: {  	vm4 =	vmand vm12, vm8;
	vm9 =	vgt.f32 v5, v6;
	vm14 =	veq.s32 v7, $0x0  }
0xa7: {  	vm5 =	vmand vm15, vm6;
	vm4 =	vmor vm13, vm4;
	vm15 =	vmand vm14, vm9  }
0xa8: {  	vm7 =	vmmov @p1 vm2;
	vm3 =	vmand vm3, vm5;
	vm2 =	vmand vm4, vm15  }
0xa9: {  	vm1 =	vmor vm1, vm3;
	vm2 =	vmor vm7, vm2  }
0xaa: {  	v6 =	vsel vm1, $0x3F800000, v1;
	v4 =	vsel vm2, $0x3F800000, v1  }
.LBB2_13:
0xab: {  	(xrf0) =	vmax.scan.msk.f32 $0xffff, v4;
	_ =	sdelay $0x3  }
0xac: {  	(xrf0) =	vmax.scan.msk.f32 $0xffff, v6;
	_ =	sdelay $0x1  }
0xad: {  	v4, _, _ =	vpop (xrf0)  }
0xae: {  	(v2sf) =	vpush v4, $0xF;
	_ =	sdelay $0x2  }
0xaf: {  	v62, _, _ =	vpop (xrf0)  }
0xb0: {  	(v2sf) =	vpush v62, $0xF;
	_ =	sdelay $0x9  }
0xb1: {  	v63 =	vmov s6  }
0xb2: {  	v4 =	vand.u32 $0xFFFFFFFE, v63;
	s0 =	spop (v2sf)  }
0xb3: {  	v4 =	vbroadcast v4, $0x0;
	p1 =	sgt.f32 s0, $0.0e+00  }
0xb4: {  	s5 =	sadd.s32 $0x1, s5  }
0xb5: {  	v5 =	vmov s7;
	v3 =	vpsel p1, $0x0, v3;
	p1 =	sne.s32 s5, $0x50  }
.Ltmp6:
0xb6: {  	s31 =	spop (v2sf);
	(pc) =	sbr.rel @!p1 .LBB2_14-.Ltmp6, $3  }
0xb7: {  	p2 =	sgt.f32 s31, $0.0e+00;
	_ =	sdelay $0x1  }
0xb8: {  	v2 =	vpsel p2, $0x0, v2;
	[tilespmem:v4+s2+$0x0] =	vst.idx.msk $0x1, v3  }
0xb9: {  	[tilespmem:v5+s2+$0x0] =	vst.idx.msk $0x1, v2  }
.LBB2_6:
0xba: {  	s6 =	sshll.u32 s5, $0x1  }
0xbb: {  	s0 =	sadd.s32 s14, s6  }
0xbc: {  	v2 =	vmov s0  }
0xbd: {  	v2 =	vand.u32 $0xFFFFFFFE, v2  }
0xbe: {  	v5 =	vbroadcast v2, $0x0;
	_ =	sdelay $0x2  }
0xbf: {  	s7 =	sshllo.u32 s5, $0x1  }
0xc0: {  	s31 =	sadd.s32 s14, s7  }
0xc1: {  	v7 =	vmov s31  }
.Ltmp7:
0xc2: {  	v3 =	vld.idx.msk [tilespmem:v5+s4+$0x0], $0xffff;
	(pc) =	sbr.rel @p0 .LBB2_13-.Ltmp7, $2  }
0xc3: {  	_ =	sdelay $0x2  }
0xc4: {  	v4 =	vimm.f32 $0.0e+00;
	v6 =	vimm.f32 $0.0e+00;
	v2 =	vld.idx.msk [tilespmem:v7+s4+$0x0], $0xffff  }
0xc5: {  	_ =	sdelay $0x3  }
0xc6: {  	v4 =	vld.idx.msk [tilespmem:v5+s25+$0x0], $0xffff  }
0xc7: {  	v6 =	vld.idx.msk [tilespmem:v5+s1+$0x0], $0xffff  }
0xc8: {  	v17 =	vld [tilespmem:s11+$0x0]  }
0xc9: {  	v18 =	vld [tilespmem:s13+$0x0]  }
0xca: {  	v21 =	vld [tilespmem:s16+$0x0]  }
0xcb: {  	s0 =	simm.s32 $0x8C00;
	v20 =	vld [tilespmem:s17+$0x0]  }
0xcc: {  	s12 =	simm.s32 $0xA000;
	v15 =	vld.idx.msk [tilespmem:v5+s0+$0x0], $0xffff  }
0xcd: {  	s18 =	simm.s32 $0xB400;
	v14 =	vld.idx.msk [tilespmem:v5+s12+$0x0], $0xffff  }
0xce: {  	s26 =	simm.s32 $0xC800;
	v12 =	vld.idx.msk [tilespmem:v5+s18+$0x0], $0xffff  }
0xcf: {  	v8 =	vld.idx.msk [tilespmem:v5+s26+$0x0], $0xffff  }
0xd0: {  	p2 =	sne.s32 s10, $0x1;
	v10 =	vld.idx.msk [tilespmem:v7+s0+$0x0], $0xffff  }
.Ltmp8:
0xd1: {  	v9 =	vld.idx.msk [tilespmem:v7+s12+$0x0], $0xffff;
	(pc) =	sbr.rel @!p2 .LBB2_8-.Ltmp8, $4  }
0xd2: {  	v13 =	vld.idx.msk [tilespmem:v7+s18+$0x0], $0xffff  }
0xd3: {  	v11 =	vld.idx.msk [tilespmem:v7+s26+$0x0], $0xffff  }
0xd4: {  	v5 =	vld.idx.msk [tilespmem:v7+s25+$0x0], $0xffff  }
0xd5: {  	p1 =	por $0x0, $0x0;
	v7 =	vld.idx.msk [tilespmem:v7+s1+$0x0], $0xffff;
	s0 =	sadd.s32 $0xFFFFFFFF, s10  }
0xd6: {  	v22 =	vmax.f32 v15, v17;
	v23 =	vld [tilespmem:s9+$0x0];
	v17 =	vmax.f32 v10, v17  }
0xd7: {  	v16 =	vld [tilespmem:s8+$0x0];
	v26 =	vmax.f32 v9, v18;
	v18 =	vmax.f32 v14, v18;
	v24 =	vmin.f32 v13, v21  }
0xd8: {  	v19 =	vld [tilespmem:s15+$0x0];
	v21 =	vmin.f32 v12, v21;
	v25 =	vmin.f32 v11, v20;
	v17 =	vsub.f32 v24, v17  }
0xd9: {  	v20 =	vmin.f32 v8, v20;
	v21 =	vsub.f32 v21, v22;
	v24 =	vsub.f32 v25, v26  }
0xda: {  	v18 =	vsub.f32 v20, v18  }
0xdb: {  	v17 =	vmax.f32 v17, $0.0e+00;
	v21 =	vmax.f32 v21, $0.0e+00;
	v20 =	vmax.f32 v24, $0.0e+00  }
0xdc: {  	v22 =	vmax.f32 v18, $0.0e+00;
	v17 =	vmul.f32 v20, v17;
	v20 =	vadd.f32 v23, v7  }
0xdd: {  	vm1 =	vgt.f32 v16, v2;
	vm2 =	veq.f32 v16, v2;
	vm3 =	vgt.s32 v19, v5  }
0xde: {  	s12 =	sadd.s32 $0x10, s11;
	p2 =	sne.s32 s0, $0x1;
	v18 =	vsub.f32 v20, v17;
	v20 =	vadd.f32 v17, v17;
	v17 =	vxor.u32 v5, v19  }
.Ltmp9:
0xdf: {  	s29 =	sadd.s32 $0x10, s13;
	v23 =	vadd.f32 v23, v6;
	vm2 =	vmand vm2, vm3;
	v24 =	vand.u32 $0x7, v17;
	v17 =	vld [tilespmem:s12+$0x0];
	(pc) =	sbr.rel @!p2 .LBB2_10-.Ltmp9, $4  }
0xe0: {  	s30 =	sadd.s32 $0x10, s16;
	vm4 =	vgt.f32 v20, v18;
	vm5 =	veq.s32 v24, $0x0;
	v18 =	vld [tilespmem:s29+$0x0];
	v24 =	vmul.f32 v22, v21  }
0xe1: {  	s31 =	sadd.s32 $0x10, s17;
	vm3 =	veq.f32 v16, v3;
	vm1 =	vmor vm1, vm2;
	v21 =	vld [tilespmem:s30+$0x0];
	vm2 =	vmand vm5, vm4  }
0xe2: {  	s0 =	sadd.s32 $0xFFFFFFFF, s0;
	p1 =	por $0x1, $0x1;
	v22 =	vxor.u32 v4, v19;
	v20 =	vld [tilespmem:s31+$0x0];
	vm1 =	vmand vm1, vm2;
	v23 =	vsub.f32 v23, v24  }
0xe3: {  	s28 =	smov.u32 s9;
	s26 =	smov.u32 s8;
	s18 =	smov.u32 s15;
	v24 =	vadd.f32 v24, v24;
	vm2 =	vmmov vm0;
	vm1 =	vmor vm0, vm1  }
.LBB2_11:
0xe4: {  	p2 =	sne.s32 s0, $0x1;
	v22 =	vand.u32 $0x7, v22;
	vm4 =	vgt.f32 v16, v3;
	vm5 =	vgt.s32 v19, v4  }
0xe5: {  	v25 =	vmax.f32 v15, v17;
	vm6 =	vgt.f32 v24, v23;
	vm7 =	veq.s32 v22, $0x0  }
0xe6: {  	s28 =	sadd.s32 $0x10, s28;
	v22 =	vmax.f32 v14, v18;
	vm3 =	vmand vm3, vm5;
	vm5 =	vmand vm7, vm6  }
0xe7: {  	v24 =	vmin.f32 v12, v21;
	v21 =	vmin.f32 v13, v21;
	s26 =	sadd.s32 $0x10, s26;
	vm3 =	vmor vm4, vm3;
	v23 =	vld [tilespmem:s28+$0x0]  }
0xe8: {  	v17 =	vmax.f32 v10, v17;
	v26 =	vmin.f32 v11, v20;
	s18 =	sadd.s32 $0x10, s18;
	v18 =	vmax.f32 v9, v18;
	v16 =	vld [tilespmem:s26+$0x0]  }
0xe9: {  	v20 =	vmin.f32 v8, v20;
	v17 =	vsub.f32 v21, v17;
	v18 =	vsub.f32 v26, v18;
	v19 =	vld [tilespmem:s18+$0x0]  }
0xea: {  	v21 =	vsub.f32 v24, v25;
	v20 =	vsub.f32 v20, v22;
	vm3 =	vmand vm3, vm5  }
0xeb: {  	v17 =	vmax.f32 v17, $0.0e+00;
	v18 =	vmax.f32 v18, $0.0e+00;
	vm2 =	vmor vm2, vm3  }
0xec: {  	v21 =	vmax.f32 v21, $0.0e+00;
	v17 =	vmul.f32 v18, v17;
	v18 =	vadd.f32 v23, v7  }
0xed: {  	v20 =	vmax.f32 v20, $0.0e+00;
	v23 =	vadd.f32 v23, v6;
	vm3 =	vgt.f32 v16, v2  }
0xee: {  	v22 =	vadd.f32 v17, v17;
	v18 =	vsub.f32 v18, v17;
	v17 =	vxor.u32 v5, v19  }
.Ltmp10:
0xef: {  	s12 =	sadd.s32 $0x10, s12;
	vm4 =	veq.f32 v16, v2;
	vm5 =	vgt.s32 v19, v5;
	v24 =	vand.u32 $0x7, v17;
	(pc) =	sbr.rel @p2 .LBB2_11-.Ltmp10, $4  }
0xf0: {  	s29 =	sadd.s32 $0x10, s29;
	vm4 =	vmand vm4, vm5;
	v17 =	vld [tilespmem:s12+$0x0];
	vm6 =	vgt.f32 v22, v18;
	vm7 =	veq.s32 v24, $0x0  }
0xf1: {  	s30 =	sadd.s32 $0x10, s30;
	v24 =	vmul.f32 v20, v21;
	vm4 =	vmor vm3, vm4;
	v18 =	vld [tilespmem:s29+$0x0];
	vm5 =	vmand vm7, vm6  }
0xf2: {  	s31 =	sadd.s32 $0x10, s31;
	v22 =	vxor.u32 v4, v19;
	vm3 =	veq.f32 v16, v3;
	v21 =	vld [tilespmem:s30+$0x0];
	vm4 =	vmand vm4, vm5  }
0xf3: {  	s0 =	sadd.s32 $0xFFFFFFFF, s0;
	v23 =	vsub.f32 v23, v24;
	v24 =	vadd.f32 v24, v24;
	v20 =	vld [tilespmem:s31+$0x0];
	vm1 =	vmor vm1, vm4  }
.Ltmp11:
0xf4: {  	_ = 	snop;
	(pc) =	sbr.rel .LBB2_12-.Ltmp11, $1  }
0xf5: {  	_ =	sdelay $0x3  }
.LBB2_10:
.Ltmp12:
0xf6: {  	(pc) =	sbr.rel .LBB2_12-.Ltmp12, $2  }
0xf7: {  	_ =	sdelay $0x2  }
0xf8: {  	s28 =	smov.u32 s9;
	s26 =	smov.u32 s8;
	s18 =	smov.u32 s15;
	vm2 =	vmmov vm0  }
.LBB2_15:
0xf9: {  	_ =	sfence.sel $0x180000  }
0xfa: {  	[bflag:$0x0] =	sbarrier.arrive $0xFFFF  }
0xfb: {  	_ =	strace $0x90000047  }
0xfc: {  	s0 =	stileid.u32;
	[bflag:$0x2] =	sbarrier.arrive $0xFFFF  }
0xfd: {  	p0 =	sne.s32 s0, $0x0;
	s0 =	rddreg [dreg:$0x2]  }
0xfe: {  	s0 =	sadd.s32 @!p0 $0x100000, s0  }
0xff: {  	[sflag:s0] =	ssyncadd.tile.s32 @!p0 $0x1;
	_ =	shalt  }
.Lfunc_end2:
_tile_overlayer_lowered:
.L_overlay_start_2:
0x100: {  	(tag) =	ssettag $0x2  }
0x101: {  	s0 =	rddreg [dreg:$0x0];
	s2 =	stileid.u32  }
0x102: {  	s1 =	rddreg [dreg:$0x1];
	p0 =	sne.s32 s2, $0x0  }
0x103: {  	s3 =	rddreg [dreg:$0x2];
	[bflag:$0x3] =	sbarrier.arrive $0xFFFF;
	s2 =	simm.s32 @!p0 $0x1C02  }
0x104: {  	[timem:s3], [sflag:s2] =	dma.local @!p0 [hbm:s0], s1  }
0x105: {  	s0 =	simm.s32 @!p0 $0x2  }
0x106: {  	_ =	swait.ge @!p0 [sflag:s0], s1  }
0x107: {  	s1 =	ssub.s32 @!p0 $0x0, s1;
	[sflag:s0] =	ssyncset.done @!p0 $0x0  }
0x108: {  	[sflag:s0] =	ssyncadd.s32 @!p0 s1  }
0x109: {  	[bflag:$0x3] =	sbarrier.arrive $0xFFFF  }
0x10a: {  	_ =	shalt  }

</sc_bundles>
